<compile_context>
chip_gen: v7x
topology: tpu7x:2x2x1
jax: 0.10.2.dev20260603
libtpu: 0.0.44.dev20260713+nightly
codegen_flags: <defaults>
</compile_context>

<pallas_src>
import functools

import jax
import jax.numpy as jnp
from jax import lax
from jax.experimental import pallas as pl
from jax.experimental.pallas import tpu as pltpu
from jax.experimental.pallas import tpu_sc as plsc

N = 10000
E = 160000
D_FEAT = 128
HID = 32
LAT = 32
OMEGA_ENC = 0.01
OMEGA_K = 0.1
H2 = HID * HID

NW = 32
CHUNK = 128
NCH = 40
EPW = CHUNK * NCH
EP = EPW * NW
BN = 1000
BE = 1024

_INV_PI = 0.3183098861837907


def _bfr(v):
    return v.astype(jnp.bfloat16).astype(jnp.float32)


def _node_body(x_ref, pos_ref, w0_ref, b0_ref, wa_ref, wb_ref, t48_ref, t16_ref):
    h = jnp.sin(OMEGA_ENC * (jnp.dot(x_ref[...], w0_ref[...],
                                     preferred_element_type=jnp.float32,
                                     precision=jax.lax.Precision.HIGHEST)
                             + b0_ref[...]))
    p = pos_ref[...]
    us = (jnp.dot(h, wa_ref[...], preferred_element_type=jnp.float32, precision=jax.lax.Precision.HIGHEST)
          + jnp.dot(p, wb_ref[...], preferred_element_type=jnp.float32, precision=jax.lax.Precision.HIGHEST))
    z12 = jnp.zeros((BN, 28), jnp.float32)
    t48_ref[...] = jnp.concatenate([us, p, z12], axis=1)
    z13 = jnp.zeros((BN, 13), jnp.float32)
    t16_ref[...] = jnp.concatenate([p, z13], axis=1)


def _stage_a(x, pos, W0, b0, wa, wb):
    grid = N // BN
    return pl.pallas_call(
        _node_body,
        grid=(grid,),
        in_specs=[
            pl.BlockSpec((BN, D_FEAT), lambda i: (i, 0)),
            pl.BlockSpec((BN, 3), lambda i: (i, 0)),
            pl.BlockSpec((D_FEAT, HID), lambda i: (0, 0)),
            pl.BlockSpec((1, HID), lambda i: (0, 0)),
            pl.BlockSpec((HID, HID + 1), lambda i: (0, 0)),
            pl.BlockSpec((3, HID + 1), lambda i: (0, 0)),
        ],
        out_specs=[
            pl.BlockSpec((BN, 64), lambda i: (i, 0)),
            pl.BlockSpec((BN, 16), lambda i: (i, 0)),
        ],
        out_shape=[
            jax.ShapeDtypeStruct((N, 64), jnp.float32),
            jax.ShapeDtypeStruct((N, 16), jnp.float32),
        ],
    )(x, pos, W0, b0, wa, wb)


def _gather_body(t48, t16, src3, dst3, gsrc, gdst,
                 idxs_v, idxd_v, b48, b16, sem1, sem2):
    c = lax.axis_index("c")
    s = lax.axis_index("s")
    w = s * 2 + c
    pltpu.sync_copy(src3.at[w], idxs_v)
    pltpu.sync_copy(dst3.at[w], idxd_v)

    def body(j, carry):
        cp1 = pltpu.async_copy(t48.at[idxs_v.at[j]], b48, sem1)
        cp2 = pltpu.async_copy(t16.at[idxd_v.at[j]], b16, sem2)
        cp1.wait()
        cp2.wait()
        base = w * EPW + j * CHUNK
        pltpu.sync_copy(b48, gsrc.at[pl.ds(base, CHUNK)])
        pltpu.sync_copy(b16, gdst.at[pl.ds(base, CHUNK)])
        return carry

    lax.fori_loop(0, NCH, body, 0)


def _stage_g(t48, t16, src3, dst3):
    mesh = plsc.VectorSubcoreMesh(core_axis_name="c", subcore_axis_name="s",
                                  num_cores=2, num_subcores=16)
    fn = pl.kernel(
        _gather_body,
        out_type=[
            jax.ShapeDtypeStruct((EP, 64), jnp.float32),
            jax.ShapeDtypeStruct((EP, 16), jnp.float32),
        ],
        mesh=mesh,
        scratch_types=[
            pltpu.VMEM((NCH, CHUNK), jnp.int32),
            pltpu.VMEM((NCH, CHUNK), jnp.int32),
            pltpu.VMEM((CHUNK, 64), jnp.float32),
            pltpu.VMEM((CHUNK, 16), jnp.float32),
            pltpu.SemaphoreType.DMA,
            pltpu.SemaphoreType.DMA,
        ],
        compiler_params=pltpu.CompilerParams(use_tc_tiling_on_sc=False),
    )
    return fn(t48, t16, src3, dst3)


def _polysin(v):
    v2 = v * v
    return v * (1.0 + v2 * (-1.0 / 6.0 + v2 * (1.0 / 120.0
                + v2 * (-1.0 / 5040.0 + v2 * (1.0 / 362880.0)))))


def _edge_body(gsrc_ref, gdst_ref, k0_ref, a0_ref, p2_ref, q2_ref, beta_ref,
               tm_ref, rm_ref, msg_ref):
    g = gsrc_ref[...]
    u = g[:, 0:HID]
    s = g[:, HID:HID + 1]
    ps = g[:, HID + 1:HID + 4]
    pd = gdst_ref[:, 0:3]
    rel = pd - ps
    xx = rel[:, 0:1]
    yy = rel[:, 1:2]
    zz = rel[:, 2:3]
    sq = xx * xx + yy * yy + zz * zz
    good = sq > 0.0
    sq_safe = jnp.where(good, sq, 1.0)
    rho_safe = jnp.sqrt(sq_safe)
    rho = jnp.where(good, rho_safe, 0.0)
    xy = xx * xx + yy * yy
    theta = jnp.arctan2(yy, jnp.where(xy > 0.0, xx, 1.0))
    zcl = jnp.clip(zz / rho_safe, -1.0, 1.0)
    phi = jnp.arctan2(zcl, jnp.sqrt(jnp.maximum(1.0 - zcl * zcl, 0.0)))
    theta = _INV_PI * jnp.where(good, theta, 0.0)
    phi = _INV_PI * jnp.where(good, phi, 0.0)
    k0 = k0_ref[...]
    a = (rho * k0[0:1, :]
         + theta * k0[1:2, :]
         + phi * k0[2:3, :]
         + a0_ref[...])
    sa = jnp.sin(a)
    ca = jnp.cos(a)
    pre2 = (jnp.dot(sa, p2_ref[...], preferred_element_type=jnp.float32, precision=jax.lax.Precision.HIGHEST)
            + jnp.dot(ca, q2_ref[...], preferred_element_type=jnp.float32, precision=jax.lax.Precision.HIGHEST)
            + beta_ref[...])
    l2 = _polysin(pre2)
    ut = jnp.dot(u, tm_ref[...], preferred_element_type=jnp.float32, precision=jax.lax.Precision.HIGHEST)
    msg = (jnp.dot(l2 * ut, rm_ref[...], preferred_element_type=jnp.float32, precision=jax.lax.Precision.HIGHEST)
           + s)
    rows = (pl.program_id(0) * BE
            + lax.broadcasted_iota(jnp.int32, (BE, 1), 0))
    msg_ref[...] = jnp.where(rows < E, msg, 0.0)


def _stage_b(gsrc, gdst, k0, a0r, p2, q2, beta, tm, rm):
    grid = EP // BE
    return pl.pallas_call(
        _edge_body,
        grid=(grid,),
        in_specs=[
            pl.BlockSpec((BE, 64), lambda i: (i, 0)),
            pl.BlockSpec((BE, 16), lambda i: (i, 0)),
            pl.BlockSpec((3, HID), lambda i: (0, 0)),
            pl.BlockSpec((1, HID), lambda i: (0, 0)),
            pl.BlockSpec((HID, H2), lambda i: (0, 0)),
            pl.BlockSpec((HID, H2), lambda i: (0, 0)),
            pl.BlockSpec((1, H2), lambda i: (0, 0)),
            pl.BlockSpec((HID, H2), lambda i: (0, 0)),
            pl.BlockSpec((H2, HID), lambda i: (0, 0)),
        ],
        out_specs=pl.BlockSpec((BE, HID), lambda i: (i, 0)),
        out_shape=jax.ShapeDtypeStruct((EP, HID), jnp.float32),
    )(gsrc, gdst, k0, a0r, p2, q2, beta, tm, rm)


_HALF = EPW // 2
_NCH_H = NCH // 2


def _scatter_body(msg, dst3, zeros_in, out, idx_v, msg_v, agg_sh, semz):
    c = lax.axis_index("c")
    s = lax.axis_index("s")
    w = s * 2 + c

    @pl.when(s == 0)
    def _():
        pltpu.async_copy(zeros_in, agg_sh, semz).wait()

    plsc.subcore_barrier()
    pltpu.sync_copy(dst3.at[w], idx_v)

    def outer(h, carry):
        pltpu.sync_copy(msg.at[pl.ds(w * EPW + h * _HALF, _HALF)], msg_v)

        def inner(j, carry2):
            pltpu.sync_copy(msg_v.at[pl.ds(j * CHUNK, CHUNK)],
                            agg_sh.at[idx_v.at[h * _NCH_H + j]], add=True)
            return carry2

        lax.fori_loop(0, _NCH_H, inner, 0)
        return carry

    lax.fori_loop(0, 2, outer, 0)
    plsc.subcore_barrier()
    rows = N // 16
    pltpu.sync_copy(agg_sh.at[pl.ds(s * rows, rows)],
                    out.at[c, pl.ds(s * rows, rows)])


def _stage_s(msg, dst3, zeros_in):
    mesh = plsc.VectorSubcoreMesh(core_axis_name="c", subcore_axis_name="s",
                                  num_cores=2, num_subcores=16)
    fn = pl.kernel(
        _scatter_body,
        out_type=jax.ShapeDtypeStruct((2, N, HID), jnp.float32),
        mesh=mesh,
        scratch_types=[
            pltpu.VMEM((NCH, CHUNK), jnp.int32),
            pltpu.VMEM((_HALF, HID), jnp.float32),
            pltpu.VMEM_SHARED((N, HID), jnp.float32),
            pltpu.SemaphoreType.DMA,
        ],
        compiler_params=pltpu.CompilerParams(use_tc_tiling_on_sc=False),
    )
    return fn(msg, dst3, zeros_in)


def _final_body(agg_ref, t48_ref, l2t_ref, cb_ref, w1_ref, b1_ref, out_ref):
    agg = agg_ref[0] + agg_ref[1]
    t = t48_ref[...]
    u = t[:, 0:HID]
    s = t[:, HID:HID + 1]
    selfmsg = jnp.dot(u, l2t_ref[...], preferred_element_type=jnp.float32, precision=jax.lax.Precision.HIGHEST) + s
    conv = agg + selfmsg + cb_ref[...]
    h2 = jnp.sin(OMEGA_ENC * conv)
    out_ref[...] = jnp.sin(
        OMEGA_ENC * (jnp.dot(h2, w1_ref[...],
                             preferred_element_type=jnp.float32,
                             precision=jax.lax.Precision.HIGHEST)
                     + b1_ref[...]))


def _stage_c(aggp, t48, l2t, conv_bias, W1, b1r):
    grid = N // BN
    return pl.pallas_call(
        _final_body,
        grid=(grid,),
        in_specs=[
            pl.BlockSpec((2, BN, HID), lambda i: (0, i, 0)),
            pl.BlockSpec((BN, 64), lambda i: (i, 0)),
            pl.BlockSpec((HID, HID), lambda i: (0, 0)),
            pl.BlockSpec((1, HID), lambda i: (0, 0)),
            pl.BlockSpec((HID, LAT), lambda i: (0, 0)),
            pl.BlockSpec((1, LAT), lambda i: (0, 0)),
        ],
        out_specs=pl.BlockSpec((BN, LAT), lambda i: (i, 0)),
        out_shape=jax.ShapeDtypeStruct((N, LAT), jnp.float32),
    )(aggp, t48, l2t, conv_bias, W1, b1r)


def kernel(x, edge_index, pos, W0, b0, kW0, kb0, kW1, kb1, kW2, kb2,
           conv_bias, W1, b1):
    f32 = jnp.float32
    ch = jnp.arange(HID, dtype=f32)
    bmat = OMEGA_K * ch[:, None] * kW0[3, :][None, :]
    cb_m, sb_m = jnp.cos(bmat), jnp.sin(bmat)
    p2 = (OMEGA_K * cb_m[:, :, None] * kW1[None, :, :]
          ).transpose(1, 0, 2).reshape(HID, H2)
    q2 = (OMEGA_K * sb_m[:, :, None] * kW1[None, :, :]
          ).transpose(1, 0, 2).reshape(HID, H2)
    beta = jnp.tile(OMEGA_K * kb1, HID)[None, :]
    eye = jnp.eye(HID, dtype=f32)
    tm = jnp.tile(eye, (1, HID))
    rm = jnp.kron(eye, jnp.ones((HID, 1), f32))
    l1s = jnp.sin((OMEGA_K * kb0)[None, :] + bmat)
    l2self_t = jnp.sin(OMEGA_K * (l1s @ kW1 + kb1)).T
    k0 = OMEGA_K * kW0[:3]
    a0r = (OMEGA_K * kb0)[None, :]

    wc = jnp.concatenate([kW2.T, kb2[:, None]], axis=1)
    wa, wb = wc[:HID], wc[HID:HID + 3]

    t48, t16 = _stage_a(x, pos, W0, b0[None, :], wa, wb)

    src = edge_index[0]
    dst = edge_index[1]
    padz = jnp.zeros((EP - E,), jnp.int32)
    src3 = jnp.concatenate([src, padz]).reshape(NW, NCH, CHUNK)
    dst3 = jnp.concatenate([dst, padz]).reshape(NW, NCH, CHUNK)

    gsrc, gdst = _stage_g(t48, t16, src3, dst3)
    msg = _stage_b(gsrc, gdst, k0, a0r, p2, q2, beta, tm, rm)
    aggp = _stage_s(msg, dst3, jnp.zeros((N, HID), f32))
    return _stage_c(aggp, t48, l2self_t, conv_bias, W1, b1[None, :])

# --- scband reference (transcript-rebuilt; emitter-appended) ---
"""Pipeline reference for scband-encoder-28630251995817 (READ-ONLY COPY).

The authoritative reference and input builder live on the scoring server;
editing this copy changes nothing except your own understanding.
"""

import jax, jax.numpy as jnp
import numpy as np

N = 10000
E = 160000
D_FEAT = 128
HID = 32
LAT = 32
DIM = 3
OMEGA_ENC = 0.01
OMEGA_K = 0.1


def _glorot(key, shape):
    lim = float(np.sqrt(6.0 / (shape[0] + shape[1])))
    return jax.random.uniform(key, shape, dtype=jnp.float32, minval=-lim, maxval=lim)


def setup_inputs(seed: int = 0):
    key = jax.random.key(seed)
    ks = jax.random.split(key, 12)
    x = jax.random.normal(ks[0], (N, D_FEAT), dtype=jnp.float32)
    row = jax.random.randint(ks[1], (E,), 0, N, dtype=jnp.int32)
    off = jax.random.randint(ks[2], (E,), 1, N, dtype=jnp.int32)
    col = (row + off) % N
    edge_index = jnp.stack([row, col], axis=0)
    pos = jax.random.normal(ks[3], (N, DIM), dtype=jnp.float32)
    kin = HID + DIM
    return {
        "x": x, "edge_index": edge_index, "pos": pos,
        "W0": _glorot(ks[4], (D_FEAT, HID)), "b0": jnp.zeros((HID,), jnp.float32),
        "kW0": _glorot(ks[5], (DIM + 1, HID)), "kb0": jnp.zeros((HID,), jnp.float32),
        "kW1": _glorot(ks[6], (HID, HID)), "kb1": jnp.zeros((HID,), jnp.float32),
        "kW2": _glorot(ks[7], (HID, kin)), "kb2": jnp.zeros((kin,), jnp.float32),
        "conv_bias": jnp.zeros((1, HID), jnp.float32),
        "W1": _glorot(ks[8], (HID, LAT)), "b1": jnp.zeros((LAT,), jnp.float32),
    }


def _add_remaining_self_loops(edge_index):
    # PyG semantics: drop existing self loops, then add a self loop for every node
    row = edge_index[0]
    col = edge_index[1]
    keep = row != col
    loop = jnp.arange(N, dtype=row.dtype)
    ei = jnp.concatenate([edge_index, jnp.stack([loop, loop], axis=0)], axis=1)
    mask = jnp.concatenate([keep, jnp.ones((N,), dtype=bool)])
    return ei, mask


def _spherical(rel_pos):
    xx = rel_pos[:, 0]; yy = rel_pos[:, 1]; zz = rel_pos[:, 2]
    sq = xx * xx + yy * yy + zz * zz
    good = sq > 0
    sq_safe = jnp.where(good, sq, 1.0)
    rho_safe = jnp.sqrt(sq_safe)
    rho = jnp.where(good, rho_safe, 0.0)
    xy = xx * xx + yy * yy
    theta = jnp.arctan2(yy, jnp.where(xy > 0, xx, 1.0))
    phi = jnp.arcsin(jnp.clip(zz / rho_safe, -1.0, 1.0))
    # torch: where phi is nan (rho==0 self loops) -> theta=0, phi=0
    theta = jnp.where(good, theta, 0.0)
    phi = jnp.where(good, phi, 0.0)
    return jnp.stack([rho, theta / jnp.pi, phi / jnp.pi], axis=1)


def _k_net(sph, channel, kW0, kb0, kW1, kb1, kW2, kb2):
    c = jnp.full((sph.shape[0], 1), float(channel), dtype=sph.dtype)
    inp = jnp.concatenate([sph, c], axis=1)
    out = jnp.sin(OMEGA_K * (inp @ kW0 + kb0))
    out = jnp.sin(OMEGA_K * (out @ kW1 + kb1))
    return out @ kW2 + kb2


def _forward(x, pos, ei, mask, W0, b0, kW0, kb0, kW1, kb1, kW2, kb2, conv_bias, W1, b1):
    h = jnp.sin(OMEGA_ENC * (x @ W0 + b0))
    h = jnp.concatenate([h, pos], axis=1)
    src = ei[0]
    dst = ei[1]
    rel_pos = pos[dst] - pos[src]
    sph = _spherical(rel_pos)
    x_j = h[src]
    msgs = []
    for ch in range(HID):
        k = _k_net(sph, ch, kW0, kb0, kW1, kb1, kW2, kb2)
        msgs.append(jnp.sum(k * x_j, axis=1))
    msg = jnp.stack(msgs, axis=1)
    msg = jnp.where(mask[:, None], msg, 0.0)
    agg = jax.ops.segment_sum(msg, dst, num_segments=N)
    conv_out = jnp.squeeze(agg) + conv_bias
    h2 = jnp.sin(OMEGA_ENC * conv_out)
    return jnp.sin(OMEGA_ENC * (h2 @ W1 + b1))


def reference(x, edge_index, pos, W0, b0, kW0, kb0, kW1, kb1, kW2, kb2, conv_bias, W1, b1):
    ei, mask = _add_remaining_self_loops(edge_index)
    return _forward(x, pos, ei, mask, W0, b0, kW0, kb0, kW1, kb1, kW2, kb2, conv_bias, W1, b1)

if __name__ == "__main__":
    import jax
    _d = setup_inputs()
    print(jax.jit(kernel)(*tuple(_d.values())))

</pallas_src>

<mosaic_0001>
#map = affine_map<(d0, d1) -> (0, 0)>
#map1 = affine_map<(d0, d1) -> (0, 0, 0)>
module attributes {stable_mosaic.version = 14 : i64} {
  func.func @_scatter_body(%arg0: i32, %arg1: i32, %arg2: memref<163840x32xf32, #tpu.memory_space<hbm>>, %arg3: memref<32x40x128xi32, #tpu.memory_space<hbm>>, %arg4: memref<10000x32xf32, #tpu.memory_space<hbm>>, %arg5: memref<2x10000x32xf32, #tpu.memory_space<hbm>>, %arg6: memref<40x128xi32, #tpu.memory_space<vmem>>, %arg7: memref<2560x32xf32, #tpu.memory_space<vmem>>, %arg8: memref<10000x32xf32, #tpu.memory_space<vmem_shared>>, %arg9: memref<!tpu.dma_semaphore, #tpu.memory_space<semaphore_mem>>) attributes {dimension_semantics = [#tpu.dimension_semantics<core_parallel>, #tpu.dimension_semantics<subcore_parallel>], iteration_bounds = array<i64: 2, 16>, scalar_prefetch = 0 : i64, scratch_operands = 4 : i64, tpu.core_type = #tpu.core_type<sc_vector_subcore>, window_params = [{transform_indices = #map}, {transform_indices = #map1}, {transform_indices = #map}, {transform_indices = #map1}]} {
    %mul3A = arith.constant 2 : i32
    %mul3A_0 = arith.muli %arg1, %mul3A : i32
    %add3A = arith.addi %mul3A_0, %arg0 : i32
    %eq3A = arith.constant 0 : i32
    %eq3A_1 = arith.cmpi eq, %arg1, %eq3A : i32
    %convert_element_type3A = arith.extui %eq3A_1 : i1 to i32
    %cond3A = arith.constant 0 : i32
    %cond3A_2 = arith.cmpi ne, %convert_element_type3A, %cond3A : i32
    scf.if %cond3A_2 {
      tpu.enqueue_dma source(%arg4 : memref<10000x32xf32, #tpu.memory_space<hbm>>) target(%arg8 : memref<10000x32xf32, #tpu.memory_space<vmem_shared>>) target_semaphore(%arg9 : memref<!tpu.dma_semaphore, #tpu.memory_space<semaphore_mem>>)
      tpu.wait_dma2 semaphore(%arg9 : memref<!tpu.dma_semaphore, #tpu.memory_space<semaphore_mem>>) src(%arg4 : memref<10000x32xf32, #tpu.memory_space<hbm>>) dst(%arg8 : memref<10000x32xf32, #tpu.memory_space<vmem_shared>>)
    } else {
    }
    %barrier3A = arith.constant 0 : index
    tpu.barrier barrier_id(%barrier3A)
    "tpu.region"() ({
      %run_scoped3A = tpu.sem_alloc : memref<!tpu.dma_semaphore, #tpu.memory_space<semaphore_mem>>
      %dma_start3A = arith.constant 0 : i32
      %dma_start3A_13 = arith.constant 0 : i32
      %dma_start3A_14 = tpu.memref_slice %arg3[%add3A, %dma_start3A, %dma_start3A_13] : memref<32x40x128xi32, #tpu.memory_space<hbm>> -> memref<1x40x128xi32, #tpu.memory_space<hbm>>
      %dma_start3A_15 = tpu.memref_squeeze %dma_start3A_14 : memref<1x40x128xi32, #tpu.memory_space<hbm>> -> memref<40x128xi32, #tpu.memory_space<hbm>>
      %dma_start3A_16 = arith.constant 0 : i32
      %dma_start3A_17 = arith.constant 0 : i32
      %dma_start3A_18 = tpu.memref_slice %arg3[%add3A, %dma_start3A_16, %dma_start3A_17] : memref<32x40x128xi32, #tpu.memory_space<hbm>> -> memref<1x40x128xi32, #tpu.memory_space<hbm>>
      %dma_start3A_19 = tpu.memref_squeeze %dma_start3A_18 : memref<1x40x128xi32, #tpu.memory_space<hbm>> -> memref<40x128xi32, #tpu.memory_space<hbm>>
      tpu.enqueue_dma source(%dma_start3A_19 : memref<40x128xi32, #tpu.memory_space<hbm>>) target(%arg6 : memref<40x128xi32, #tpu.memory_space<vmem>>) target_semaphore(%run_scoped3A : memref<!tpu.dma_semaphore, #tpu.memory_space<semaphore_mem>>)
      %dma_wait3A = arith.constant 0 : i32
      %dma_wait3A_20 = arith.constant 0 : i32
      %dma_wait3A_21 = tpu.memref_slice %arg3[%add3A, %dma_wait3A, %dma_wait3A_20] : memref<32x40x128xi32, #tpu.memory_space<hbm>> -> memref<1x40x128xi32, #tpu.memory_space<hbm>>
      %dma_wait3A_22 = tpu.memref_squeeze %dma_wait3A_21 : memref<1x40x128xi32, #tpu.memory_space<hbm>> -> memref<40x128xi32, #tpu.memory_space<hbm>>
      %dma_wait3A_23 = arith.constant 0 : i32
      %dma_wait3A_24 = arith.constant 0 : i32
      %dma_wait3A_25 = tpu.memref_slice %arg3[%add3A, %dma_wait3A_23, %dma_wait3A_24] : memref<32x40x128xi32, #tpu.memory_space<hbm>> -> memref<1x40x128xi32, #tpu.memory_space<hbm>>
      %dma_wait3A_26 = tpu.memref_squeeze %dma_wait3A_25 : memref<1x40x128xi32, #tpu.memory_space<hbm>> -> memref<40x128xi32, #tpu.memory_space<hbm>>
      tpu.wait_dma2 semaphore(%run_scoped3A : memref<!tpu.dma_semaphore, #tpu.memory_space<semaphore_mem>>) src(%dma_wait3A_26 : memref<40x128xi32, #tpu.memory_space<hbm>>) dst(%arg6 : memref<40x128xi32, #tpu.memory_space<vmem>>)
      tpu.yield
    }) : () -> ()
    %scan3A = arith.constant 0 : i32
    %scan3A_3 = arith.constant 0 : i32
    %scan3A_4 = arith.constant 2 : i32
    %scan3A_5 = arith.addi %scan3A_3, %scan3A_4 : i32
    %scan3A_6 = arith.constant 1 : i32
    scf.for %scan3A_13 = %scan3A_3 to %scan3A_5 step %scan3A_6  : i32 {
      %mul3A_14 = arith.constant 5120 : i32
      %mul3A_15 = arith.muli %add3A, %mul3A_14 : i32
      %mul3A_16 = arith.constant 2560 : i32
      %mul3A_17 = arith.muli %scan3A_13, %mul3A_16 : i32
      %add3A_18 = arith.addi %mul3A_15, %mul3A_17 : i32
      "tpu.region"() ({
        %run_scoped3A = tpu.sem_alloc : memref<!tpu.dma_semaphore, #tpu.memory_space<semaphore_mem>>
        %dma_start3A = arith.constant 0 : i32
        %dma_start3A_25 = tpu.memref_slice %arg2[%add3A_18, %dma_start3A] : memref<163840x32xf32, #tpu.memory_space<hbm>> -> memref<2560x32xf32, #tpu.memory_space<hbm>>
        %dma_start3A_26 = arith.constant 0 : i32
        %dma_start3A_27 = tpu.memref_slice %arg2[%add3A_18, %dma_start3A_26] : memref<163840x32xf32, #tpu.memory_space<hbm>> -> memref<2560x32xf32, #tpu.memory_space<hbm>>
        tpu.enqueue_dma source(%dma_start3A_27 : memref<2560x32xf32, #tpu.memory_space<hbm>>) target(%arg7 : memref<2560x32xf32, #tpu.memory_space<vmem>>) target_semaphore(%run_scoped3A : memref<!tpu.dma_semaphore, #tpu.memory_space<semaphore_mem>>)
        %dma_wait3A = arith.constant 0 : i32
        %dma_wait3A_28 = tpu.memref_slice %arg2[%add3A_18, %dma_wait3A] : memref<163840x32xf32, #tpu.memory_space<hbm>> -> memref<2560x32xf32, #tpu.memory_space<hbm>>
        %dma_wait3A_29 = arith.constant 0 : i32
        %dma_wait3A_30 = tpu.memref_slice %arg2[%add3A_18, %dma_wait3A_29] : memref<163840x32xf32, #tpu.memory_space<hbm>> -> memref<2560x32xf32, #tpu.memory_space<hbm>>
        tpu.wait_dma2 semaphore(%run_scoped3A : memref<!tpu.dma_semaphore, #tpu.memory_space<semaphore_mem>>) src(%dma_wait3A_30 : memref<2560x32xf32, #tpu.memory_space<hbm>>) dst(%arg7 : memref<2560x32xf32, #tpu.memory_space<vmem>>)
        tpu.yield
      }) : () -> ()
      %scan3A_19 = arith.constant 0 : i32
      %scan3A_20 = arith.constant 0 : i32
      %scan3A_21 = arith.constant 20 : i32
      %scan3A_22 = arith.addi %scan3A_20, %scan3A_21 : i32
      %scan3A_23 = arith.constant 1 : i32
      scf.for %scan3A_25 = %scan3A_20 to %scan3A_22 step %scan3A_23  : i32 {
        %mul3A_26 = arith.constant 128 : i32
        %mul3A_27 = arith.muli %scan3A_25, %mul3A_26 : i32
        %mul3A_28 = arith.constant 20 : i32
        %mul3A_29 = arith.muli %scan3A_13, %mul3A_28 : i32
        %add3A_30 = arith.addi %mul3A_29, %scan3A_25 : i32
        "tpu.region"() ({
          %run_scoped3A = tpu.sem_alloc : memref<!tpu.dma_semaphore, #tpu.memory_space<semaphore_mem>>
          %dma_start3A = arith.constant 0 : i32
          %dma_start3A_31 = tpu.memref_slice %arg7[%mul3A_27, %dma_start3A] : memref<2560x32xf32, #tpu.memory_space<vmem>> -> memref<128x32xf32, #tpu.memory_space<vmem>>
          %dma_start3A_32 = arith.constant 0 : i32
          %dma_start3A_33 = tpu.memref_slice %arg6[%add3A_30, %dma_start3A_32] : memref<40x128xi32, #tpu.memory_space<vmem>> -> memref<1x128xi32, #tpu.memory_space<vmem>>
          %dma_start3A_34 = tpu.memref_squeeze %dma_start3A_33 : memref<1x128xi32, #tpu.memory_space<vmem>> -> memref<128xi32, #tpu.memory_space<vmem>>
          %dma_start3A_35 = arith.constant 0 : i32
          %dma_start3A_36 = arith.constant 0 : i32
          %dma_start3A_37 = tpu.memref_slice %arg8[%dma_start3A_35, %dma_start3A_36] : memref<10000x32xf32, #tpu.memory_space<vmem_shared>> -> memref<10000x32xf32, #tpu.memory_space<vmem_shared>>
          tpu.enqueue_indirect_dma source(%dma_start3A_31 : memref<128x32xf32, #tpu.memory_space<vmem>>) target(%dma_start3A_37 : memref<10000x32xf32, #tpu.memory_space<vmem_shared>>) offsets(%dma_start3A_34 : memref<128xi32, #tpu.memory_space<vmem>>) semaphore(%run_scoped3A : memref<!tpu.dma_semaphore, #tpu.memory_space<semaphore_mem>>) {add = true}
          %dma_wait3A = arith.constant 0 : i32
          %dma_wait3A_38 = tpu.memref_slice %arg7[%mul3A_27, %dma_wait3A] : memref<2560x32xf32, #tpu.memory_space<vmem>> -> memref<128x32xf32, #tpu.memory_space<vmem>>
          %dma_wait3A_39 = arith.constant 0 : i32
          %dma_wait3A_40 = tpu.memref_slice %arg6[%add3A_30, %dma_wait3A_39] : memref<40x128xi32, #tpu.memory_space<vmem>> -> memref<1x128xi32, #tpu.memory_space<vmem>>
          %dma_wait3A_41 = tpu.memref_squeeze %dma_wait3A_40 : memref<1x128xi32, #tpu.memory_space<vmem>> -> memref<128xi32, #tpu.memory_space<vmem>>
          %dma_wait3A_42 = arith.constant 0 : i32
          %dma_wait3A_43 = arith.constant 0 : i32
          %dma_wait3A_44 = tpu.memref_slice %arg8[%dma_wait3A_42, %dma_wait3A_43] : memref<10000x32xf32, #tpu.memory_space<vmem_shared>> -> memref<10000x32xf32, #tpu.memory_space<vmem_shared>>
          tpu.wait_indirect_dma semaphore(%run_scoped3A : memref<!tpu.dma_semaphore, #tpu.memory_space<semaphore_mem>>) src(%dma_wait3A_38 : memref<128x32xf32, #tpu.memory_space<vmem>>) dst(%dma_wait3A_44 : memref<10000x32xf32, #tpu.memory_space<vmem_shared>>)
          tpu.yield
        }) : () -> ()
      }
      %scan3A_24 = arith.constant 20 : i32
    }
    %scan3A_7 = arith.constant 2 : i32
    %barrier3A_8 = arith.constant 0 : index
    tpu.barrier barrier_id(%barrier3A_8)
    %mul3A_9 = arith.constant 625 : i32
    %mul3A_10 = arith.muli %arg1, %mul3A_9 : i32
    %mul3A_11 = arith.constant 625 : i32
    %mul3A_12 = arith.muli %arg1, %mul3A_11 : i32
    "tpu.region"() ({
      %run_scoped3A = tpu.sem_alloc : memref<!tpu.dma_semaphore, #tpu.memory_space<semaphore_mem>>
      %dma_start3A = arith.constant 0 : i32
      %dma_start3A_13 = tpu.memref_slice %arg5[%arg0, %mul3A_12, %dma_start3A] : memref<2x10000x32xf32, #tpu.memory_space<hbm>> -> memref<1x625x32xf32, #tpu.memory_space<hbm>>
      %dma_start3A_14 = tpu.memref_squeeze %dma_start3A_13 : memref<1x625x32xf32, #tpu.memory_space<hbm>> -> memref<625x32xf32, #tpu.memory_space<hbm>>
      %dma_start3A_15 = arith.constant 0 : i32
      %dma_start3A_16 = tpu.memref_slice %arg8[%mul3A_10, %dma_start3A_15] : memref<10000x32xf32, #tpu.memory_space<vmem_shared>> -> memref<625x32xf32, #tpu.memory_space<vmem_shared>>
      tpu.enqueue_dma source(%dma_start3A_16 : memref<625x32xf32, #tpu.memory_space<vmem_shared>>) target(%dma_start3A_14 : memref<625x32xf32, #tpu.memory_space<hbm>>) target_semaphore(%run_scoped3A : memref<!tpu.dma_semaphore, #tpu.memory_space<semaphore_mem>>)
      %dma_wait3A = arith.constant 0 : i32
      %dma_wait3A_17 = tpu.memref_slice %arg5[%arg0, %mul3A_12, %dma_wait3A] : memref<2x10000x32xf32, #tpu.memory_space<hbm>> -> memref<1x625x32xf32, #tpu.memory_space<hbm>>
      %dma_wait3A_18 = tpu.memref_squeeze %dma_wait3A_17 : memref<1x625x32xf32, #tpu.memory_space<hbm>> -> memref<625x32xf32, #tpu.memory_space<hbm>>
      %dma_wait3A_19 = arith.constant 0 : i32
      %dma_wait3A_20 = tpu.memref_slice %arg8[%mul3A_10, %dma_wait3A_19] : memref<10000x32xf32, #tpu.memory_space<vmem_shared>> -> memref<625x32xf32, #tpu.memory_space<vmem_shared>>
      tpu.wait_dma2 semaphore(%run_scoped3A : memref<!tpu.dma_semaphore, #tpu.memory_space<semaphore_mem>>) src(%dma_wait3A_20 : memref<625x32xf32, #tpu.memory_space<vmem_shared>>) dst(%dma_wait3A_18 : memref<625x32xf32, #tpu.memory_space<hbm>>)
      tpu.yield
    }) : () -> ()
    return
  }
}

#map = affine_map<(d0, d1) -> (0, 0)>
#map1 = affine_map<(d0, d1) -> (0, 0, 0)>
module attributes {stable_mosaic.version = 14 : i64} {
  func.func @_gather_body(%arg0: i32, %arg1: i32, %arg2: memref<10000x64xf32, #tpu.memory_space<hbm>>, %arg3: memref<10000x16xf32, #tpu.memory_space<hbm>>, %arg4: memref<32x40x128xi32, #tpu.memory_space<hbm>>, %arg5: memref<32x40x128xi32, #tpu.memory_space<hbm>>, %arg6: memref<163840x64xf32, #tpu.memory_space<hbm>>, %arg7: memref<163840x16xf32, #tpu.memory_space<hbm>>, %arg8: memref<40x128xi32, #tpu.memory_space<vmem>>, %arg9: memref<40x128xi32, #tpu.memory_space<vmem>>, %arg10: memref<128x64xf32, #tpu.memory_space<vmem>>, %arg11: memref<128x16xf32, #tpu.memory_space<vmem>>, %arg12: memref<!tpu.dma_semaphore, #tpu.memory_space<semaphore_mem>>, %arg13: memref<!tpu.dma_semaphore, #tpu.memory_space<semaphore_mem>>) attributes {dimension_semantics = [#tpu.dimension_semantics<core_parallel>, #tpu.dimension_semantics<subcore_parallel>], iteration_bounds = array<i64: 2, 16>, scalar_prefetch = 0 : i64, scratch_operands = 6 : i64, tpu.core_type = #tpu.core_type<sc_vector_subcore>, window_params = [{transform_indices = #map}, {transform_indices = #map}, {transform_indices = #map1}, {transform_indices = #map1}, {transform_indices = #map}, {transform_indices = #map}]} {
    %mul3A = arith.constant 2 : i32
    %mul3A_0 = arith.muli %arg1, %mul3A : i32
    %add3A = arith.addi %mul3A_0, %arg0 : i32
    "tpu.region"() ({
      %run_scoped3A = tpu.sem_alloc : memref<!tpu.dma_semaphore, #tpu.memory_space<semaphore_mem>>
      %dma_start3A = arith.constant 0 : i32
      %dma_start3A_6 = arith.constant 0 : i32
      %dma_start3A_7 = tpu.memref_slice %arg4[%add3A, %dma_start3A, %dma_start3A_6] : memref<32x40x128xi32, #tpu.memory_space<hbm>> -> memref<1x40x128xi32, #tpu.memory_space<hbm>>
      %dma_start3A_8 = tpu.memref_squeeze %dma_start3A_7 : memref<1x40x128xi32, #tpu.memory_space<hbm>> -> memref<40x128xi32, #tpu.memory_space<hbm>>
      %dma_start3A_9 = arith.constant 0 : i32
      %dma_start3A_10 = arith.constant 0 : i32
      %dma_start3A_11 = tpu.memref_slice %arg4[%add3A, %dma_start3A_9, %dma_start3A_10] : memref<32x40x128xi32, #tpu.memory_space<hbm>> -> memref<1x40x128xi32, #tpu.memory_space<hbm>>
      %dma_start3A_12 = tpu.memref_squeeze %dma_start3A_11 : memref<1x40x128xi32, #tpu.memory_space<hbm>> -> memref<40x128xi32, #tpu.memory_space<hbm>>
      tpu.enqueue_dma source(%dma_start3A_12 : memref<40x128xi32, #tpu.memory_space<hbm>>) target(%arg8 : memref<40x128xi32, #tpu.memory_space<vmem>>) target_semaphore(%run_scoped3A : memref<!tpu.dma_semaphore, #tpu.memory_space<semaphore_mem>>)
      %dma_wait3A = arith.constant 0 : i32
      %dma_wait3A_13 = arith.constant 0 : i32
      %dma_wait3A_14 = tpu.memref_slice %arg4[%add3A, %dma_wait3A, %dma_wait3A_13] : memref<32x40x128xi32, #tpu.memory_space<hbm>> -> memref<1x40x128xi32, #tpu.memory_space<hbm>>
      %dma_wait3A_15 = tpu.memref_squeeze %dma_wait3A_14 : memref<1x40x128xi32, #tpu.memory_space<hbm>> -> memref<40x128xi32, #tpu.memory_space<hbm>>
      %dma_wait3A_16 = arith.constant 0 : i32
      %dma_wait3A_17 = arith.constant 0 : i32
      %dma_wait3A_18 = tpu.memref_slice %arg4[%add3A, %dma_wait3A_16, %dma_wait3A_17] : memref<32x40x128xi32, #tpu.memory_space<hbm>> -> memref<1x40x128xi32, #tpu.memory_space<hbm>>
      %dma_wait3A_19 = tpu.memref_squeeze %dma_wait3A_18 : memref<1x40x128xi32, #tpu.memory_space<hbm>> -> memref<40x128xi32, #tpu.memory_space<hbm>>
      tpu.wait_dma2 semaphore(%run_scoped3A : memref<!tpu.dma_semaphore, #tpu.memory_space<semaphore_mem>>) src(%dma_wait3A_19 : memref<40x128xi32, #tpu.memory_space<hbm>>) dst(%arg8 : memref<40x128xi32, #tpu.memory_space<vmem>>)
      tpu.yield
    }) : () -> ()
    "tpu.region"() ({
      %run_scoped3A = tpu.sem_alloc : memref<!tpu.dma_semaphore, #tpu.memory_space<semaphore_mem>>
      %dma_start3A = arith.constant 0 : i32
      %dma_start3A_6 = arith.constant 0 : i32
      %dma_start3A_7 = tpu.memref_slice %arg5[%add3A, %dma_start3A, %dma_start3A_6] : memref<32x40x128xi32, #tpu.memory_space<hbm>> -> memref<1x40x128xi32, #tpu.memory_space<hbm>>
      %dma_start3A_8 = tpu.memref_squeeze %dma_start3A_7 : memref<1x40x128xi32, #tpu.memory_space<hbm>> -> memref<40x128xi32, #tpu.memory_space<hbm>>
      %dma_start3A_9 = arith.constant 0 : i32
      %dma_start3A_10 = arith.constant 0 : i32
      %dma_start3A_11 = tpu.memref_slice %arg5[%add3A, %dma_start3A_9, %dma_start3A_10] : memref<32x40x128xi32, #tpu.memory_space<hbm>> -> memref<1x40x128xi32, #tpu.memory_space<hbm>>
      %dma_start3A_12 = tpu.memref_squeeze %dma_start3A_11 : memref<1x40x128xi32, #tpu.memory_space<hbm>> -> memref<40x128xi32, #tpu.memory_space<hbm>>
      tpu.enqueue_dma source(%dma_start3A_12 : memref<40x128xi32, #tpu.memory_space<hbm>>) target(%arg9 : memref<40x128xi32, #tpu.memory_space<vmem>>) target_semaphore(%run_scoped3A : memref<!tpu.dma_semaphore, #tpu.memory_space<semaphore_mem>>)
      %dma_wait3A = arith.constant 0 : i32
      %dma_wait3A_13 = arith.constant 0 : i32
      %dma_wait3A_14 = tpu.memref_slice %arg5[%add3A, %dma_wait3A, %dma_wait3A_13] : memref<32x40x128xi32, #tpu.memory_space<hbm>> -> memref<1x40x128xi32, #tpu.memory_space<hbm>>
      %dma_wait3A_15 = tpu.memref_squeeze %dma_wait3A_14 : memref<1x40x128xi32, #tpu.memory_space<hbm>> -> memref<40x128xi32, #tpu.memory_space<hbm>>
      %dma_wait3A_16 = arith.constant 0 : i32
      %dma_wait3A_17 = arith.constant 0 : i32
      %dma_wait3A_18 = tpu.memref_slice %arg5[%add3A, %dma_wait3A_16, %dma_wait3A_17] : memref<32x40x128xi32, #tpu.memory_space<hbm>> -> memref<1x40x128xi32, #tpu.memory_space<hbm>>
      %dma_wait3A_19 = tpu.memref_squeeze %dma_wait3A_18 : memref<1x40x128xi32, #tpu.memory_space<hbm>> -> memref<40x128xi32, #tpu.memory_space<hbm>>
      tpu.wait_dma2 semaphore(%run_scoped3A : memref<!tpu.dma_semaphore, #tpu.memory_space<semaphore_mem>>) src(%dma_wait3A_19 : memref<40x128xi32, #tpu.memory_space<hbm>>) dst(%arg9 : memref<40x128xi32, #tpu.memory_space<vmem>>)
      tpu.yield
    }) : () -> ()
    %scan3A = arith.constant 0 : i32
    %scan3A_1 = arith.constant 0 : i32
    %scan3A_2 = arith.constant 40 : i32
    %scan3A_3 = arith.addi %scan3A_1, %scan3A_2 : i32
    %scan3A_4 = arith.constant 1 : i32
    scf.for %scan3A_6 = %scan3A_1 to %scan3A_3 step %scan3A_4  : i32 {
      %dma_start3A = arith.constant 0 : i32
      %dma_start3A_7 = tpu.memref_slice %arg8[%scan3A_6, %dma_start3A] : memref<40x128xi32, #tpu.memory_space<vmem>> -> memref<1x128xi32, #tpu.memory_space<vmem>>
      %dma_start3A_8 = tpu.memref_squeeze %dma_start3A_7 : memref<1x128xi32, #tpu.memory_space<vmem>> -> memref<128xi32, #tpu.memory_space<vmem>>
      %dma_start3A_9 = arith.constant 0 : i32
      %dma_start3A_10 = arith.constant 0 : i32
      %dma_start3A_11 = tpu.memref_slice %arg2[%dma_start3A_9, %dma_start3A_10] : memref<10000x64xf32, #tpu.memory_space<hbm>> -> memref<10000x64xf32, #tpu.memory_space<hbm>>
      tpu.enqueue_indirect_dma source(%dma_start3A_11 : memref<10000x64xf32, #tpu.memory_space<hbm>>) target(%arg10 : memref<128x64xf32, #tpu.memory_space<vmem>>) offsets(%dma_start3A_8 : memref<128xi32, #tpu.memory_space<vmem>>) semaphore(%arg12 : memref<!tpu.dma_semaphore, #tpu.memory_space<semaphore_mem>>)
      %dma_start3A_12 = arith.constant 0 : i32
      %dma_start3A_13 = tpu.memref_slice %arg9[%scan3A_6, %dma_start3A_12] : memref<40x128xi32, #tpu.memory_space<vmem>> -> memref<1x128xi32, #tpu.memory_space<vmem>>
      %dma_start3A_14 = tpu.memref_squeeze %dma_start3A_13 : memref<1x128xi32, #tpu.memory_space<vmem>> -> memref<128xi32, #tpu.memory_space<vmem>>
      %dma_start3A_15 = arith.constant 0 : i32
      %dma_start3A_16 = arith.constant 0 : i32
      %dma_start3A_17 = tpu.memref_slice %arg3[%dma_start3A_15, %dma_start3A_16] : memref<10000x16xf32, #tpu.memory_space<hbm>> -> memref<10000x16xf32, #tpu.memory_space<hbm>>
      tpu.enqueue_indirect_dma source(%dma_start3A_17 : memref<10000x16xf32, #tpu.memory_space<hbm>>) target(%arg11 : memref<128x16xf32, #tpu.memory_space<vmem>>) offsets(%dma_start3A_14 : memref<128xi32, #tpu.memory_space<vmem>>) semaphore(%arg13 : memref<!tpu.dma_semaphore, #tpu.memory_space<semaphore_mem>>)
      %dma_wait3A = arith.constant 0 : i32
      %dma_wait3A_18 = tpu.memref_slice %arg8[%scan3A_6, %dma_wait3A] : memref<40x128xi32, #tpu.memory_space<vmem>> -> memref<1x128xi32, #tpu.memory_space<vmem>>
      %dma_wait3A_19 = tpu.memref_squeeze %dma_wait3A_18 : memref<1x128xi32, #tpu.memory_space<vmem>> -> memref<128xi32, #tpu.memory_space<vmem>>
      %dma_wait3A_20 = arith.constant 0 : i32
      %dma_wait3A_21 = arith.constant 0 : i32
      %dma_wait3A_22 = tpu.memref_slice %arg2[%dma_wait3A_20, %dma_wait3A_21] : memref<10000x64xf32, #tpu.memory_space<hbm>> -> memref<10000x64xf32, #tpu.memory_space<hbm>>
      tpu.wait_indirect_dma semaphore(%arg12 : memref<!tpu.dma_semaphore, #tpu.memory_space<semaphore_mem>>) src(%dma_wait3A_22 : memref<10000x64xf32, #tpu.memory_space<hbm>>) dst(%arg10 : memref<128x64xf32, #tpu.memory_space<vmem>>)
      %dma_wait3A_23 = arith.constant 0 : i32
      %dma_wait3A_24 = tpu.memref_slice %arg9[%scan3A_6, %dma_wait3A_23] : memref<40x128xi32, #tpu.memory_space<vmem>> -> memref<1x128xi32, #tpu.memory_space<vmem>>
      %dma_wait3A_25 = tpu.memref_squeeze %dma_wait3A_24 : memref<1x128xi32, #tpu.memory_space<vmem>> -> memref<128xi32, #tpu.memory_space<vmem>>
      %dma_wait3A_26 = arith.constant 0 : i32
      %dma_wait3A_27 = arith.constant 0 : i32
      %dma_wait3A_28 = tpu.memref_slice %arg3[%dma_wait3A_26, %dma_wait3A_27] : memref<10000x16xf32, #tpu.memory_space<hbm>> -> memref<10000x16xf32, #tpu.memory_space<hbm>>
      tpu.wait_indirect_dma semaphore(%arg13 : memref<!tpu.dma_semaphore, #tpu.memory_space<semaphore_mem>>) src(%dma_wait3A_28 : memref<10000x16xf32, #tpu.memory_space<hbm>>) dst(%arg11 : memref<128x16xf32, #tpu.memory_space<vmem>>)
      %mul3A_29 = arith.constant 5120 : i32
      %mul3A_30 = arith.muli %add3A, %mul3A_29 : i32
      %mul3A_31 = arith.constant 128 : i32
      %mul3A_32 = arith.muli %scan3A_6, %mul3A_31 : i32
      %add3A_33 = arith.addi %mul3A_30, %mul3A_32 : i32
      "tpu.region"() ({
        %run_scoped3A = tpu.sem_alloc : memref<!tpu.dma_semaphore, #tpu.memory_space<semaphore_mem>>
        %dma_start3A_34 = arith.constant 0 : i32
        %dma_start3A_35 = tpu.memref_slice %arg6[%add3A_33, %dma_start3A_34] : memref<163840x64xf32, #tpu.memory_space<hbm>> -> memref<128x64xf32, #tpu.memory_space<hbm>>
        %dma_start3A_36 = arith.constant 0 : i32
        %dma_start3A_37 = tpu.memref_slice %arg6[%add3A_33, %dma_start3A_36] : memref<163840x64xf32, #tpu.memory_space<hbm>> -> memref<128x64xf32, #tpu.memory_space<hbm>>
        tpu.enqueue_dma source(%arg10 : memref<128x64xf32, #tpu.memory_space<vmem>>) target(%dma_start3A_37 : memref<128x64xf32, #tpu.memory_space<hbm>>) target_semaphore(%run_scoped3A : memref<!tpu.dma_semaphore, #tpu.memory_space<semaphore_mem>>)
        %dma_wait3A_38 = arith.constant 0 : i32
        %dma_wait3A_39 = tpu.memref_slice %arg6[%add3A_33, %dma_wait3A_38] : memref<163840x64xf32, #tpu.memory_space<hbm>> -> memref<128x64xf32, #tpu.memory_space<hbm>>
        %dma_wait3A_40 = arith.constant 0 : i32
        %dma_wait3A_41 = tpu.memref_slice %arg6[%add3A_33, %dma_wait3A_40] : memref<163840x64xf32, #tpu.memory_space<hbm>> -> memref<128x64xf32, #tpu.memory_space<hbm>>
        tpu.wait_dma2 semaphore(%run_scoped3A : memref<!tpu.dma_semaphore, #tpu.memory_space<semaphore_mem>>) src(%arg10 : memref<128x64xf32, #tpu.memory_space<vmem>>) dst(%dma_wait3A_41 : memref<128x64xf32, #tpu.memory_space<hbm>>)
        tpu.yield
      }) : () -> ()
      "tpu.region"() ({
        %run_scoped3A = tpu.sem_alloc : memref<!tpu.dma_semaphore, #tpu.memory_space<semaphore_mem>>
        %dma_start3A_34 = arith.constant 0 : i32
        %dma_start3A_35 = tpu.memref_slice %arg7[%add3A_33, %dma_start3A_34] : memref<163840x16xf32, #tpu.memory_space<hbm>> -> memref<128x16xf32, #tpu.memory_space<hbm>>
        %dma_start3A_36 = arith.constant 0 : i32
        %dma_start3A_37 = tpu.memref_slice %arg7[%add3A_33, %dma_start3A_36] : memref<163840x16xf32, #tpu.memory_space<hbm>> -> memref<128x16xf32, #tpu.memory_space<hbm>>
        tpu.enqueue_dma source(%arg11 : memref<128x16xf32, #tpu.memory_space<vmem>>) target(%dma_start3A_37 : memref<128x16xf32, #tpu.memory_space<hbm>>) target_semaphore(%run_scoped3A : memref<!tpu.dma_semaphore, #tpu.memory_space<semaphore_mem>>)
        %dma_wait3A_38 = arith.constant 0 : i32
        %dma_wait3A_39 = tpu.memref_slice %arg7[%add3A_33, %dma_wait3A_38] : memref<163840x16xf32, #tpu.memory_space<hbm>> -> memref<128x16xf32, #tpu.memory_space<hbm>>
        %dma_wait3A_40 = arith.constant 0 : i32
        %dma_wait3A_41 = tpu.memref_slice %arg7[%add3A_33, %dma_wait3A_40] : memref<163840x16xf32, #tpu.memory_space<hbm>> -> memref<128x16xf32, #tpu.memory_space<hbm>>
        tpu.wait_dma2 semaphore(%run_scoped3A : memref<!tpu.dma_semaphore, #tpu.memory_space<semaphore_mem>>) src(%arg11 : memref<128x16xf32, #tpu.memory_space<vmem>>) dst(%dma_wait3A_41 : memref<128x16xf32, #tpu.memory_space<hbm>>)
        tpu.yield
      }) : () -> ()
    }
    %scan3A_5 = arith.constant 40 : i32
    return
  }
}

module attributes {stable_mosaic.version = 14 : i64} {
  func.func @_node_body(%arg0: i32, %arg1: memref<1000x128xf32, #tpu.memory_space<vmem>>, %arg2: memref<1000x3xf32, #tpu.memory_space<vmem>>, %arg3: memref<128x32xf32, #tpu.memory_space<vmem>>, %arg4: memref<1x32xf32, #tpu.memory_space<vmem>>, %arg5: memref<32x33xf32, #tpu.memory_space<vmem>>, %arg6: memref<3x33xf32, #tpu.memory_space<vmem>>, %arg7: memref<1000x64xf32, #tpu.memory_space<vmem>>, %arg8: memref<1000x16xf32, #tpu.memory_space<vmem>>) attributes {dimension_semantics = [#tpu.dimension_semantics<arbitrary>], iteration_bounds = array<i64: 10>, scalar_prefetch = 0 : i64, scratch_operands = 0 : i64, tpu.core_type = #tpu.core_type<tc>, window_params = [{transform_indices = @transform_0, window_bounds = array<i64: 1000, 128>}, {transform_indices = @transform_1, window_bounds = array<i64: 1000, 3>}, {pipeline_mode = #tpu.pipeline_mode<synchronous>, transform_indices = @transform_2, window_bounds = array<i64: 128, 32>}, {pipeline_mode = #tpu.pipeline_mode<synchronous>, transform_indices = @transform_3, window_bounds = array<i64: 1, 32>}, {pipeline_mode = #tpu.pipeline_mode<synchronous>, transform_indices = @transform_4, window_bounds = array<i64: 32, 33>}, {pipeline_mode = #tpu.pipeline_mode<synchronous>, transform_indices = @transform_5, window_bounds = array<i64: 3, 33>}, {transform_indices = @transform_6, window_bounds = array<i64: 1000, 64>}, {transform_indices = @transform_7, window_bounds = array<i64: 1000, 16>}]} {
    %get3A = arith.constant 0 : index
    %get3A_0 = arith.constant 0 : index
    %get3A_1 = vector.load %arg1[%get3A, %get3A_0] : memref<1000x128xf32, #tpu.memory_space<vmem>>, vector<1000x128xf32>
    %get3A_2 = arith.constant 0 : index
    %get3A_3 = arith.constant 0 : index
    %get3A_4 = vector.load %arg3[%get3A_2, %get3A_3] : memref<128x32xf32, #tpu.memory_space<vmem>>, vector<128x32xf32>
    %dot_general3A = arith.constant dense<0.000000e+00> : vector<1000x32xf32>
    %dot_general3A_5 = tpu.matmul %get3A_1, %get3A_4, %dot_general3A {dimension_numbers = #tpu.dot_dimension_numbers<[1], [0], [0], [1], [0, 0, 1, 1], [], []>, precision = #tpu.contract_precision<fp32>, transpose_lhs_hint = false} : vector<1000x128xf32>, vector<128x32xf32>, vector<1000x32xf32> -> vector<1000x32xf32>
    %get3A_6 = arith.constant 0 : index
    %get3A_7 = arith.constant 0 : index
    %get3A_8 = vector.load %arg4[%get3A_6, %get3A_7] : memref<1x32xf32, #tpu.memory_space<vmem>>, vector<1x32xf32>
    %add3A = vector.broadcast %get3A_8 : vector<1x32xf32> to vector<1000x32xf32>
    %add3A_9 = arith.addf %dot_general3A_5, %add3A : vector<1000x32xf32>
    %mul3A = arith.constant 0.00999999977 : f32
    %mul3A_10 = vector.broadcast %mul3A : f32 to vector<1000x32xf32>
    %mul3A_11 = arith.mulf %mul3A_10, %add3A_9 : vector<1000x32xf32>
    %sin3A = math.sin %mul3A_11 : vector<1000x32xf32>
    %get3A_12 = arith.constant 0 : index
    %get3A_13 = arith.constant 0 : index
    %get3A_14 = vector.load %arg2[%get3A_12, %get3A_13] : memref<1000x3xf32, #tpu.memory_space<vmem>>, vector<1000x3xf32>
    %get3A_15 = arith.constant 0 : index
    %get3A_16 = arith.constant 0 : index
    %get3A_17 = vector.load %arg5[%get3A_15, %get3A_16] : memref<32x33xf32, #tpu.memory_space<vmem>>, vector<32x33xf32>
    %dot_general3A_18 = arith.constant dense<0.000000e+00> : vector<1000x33xf32>
    %dot_general3A_19 = tpu.matmul %sin3A, %get3A_17, %dot_general3A_18 {dimension_numbers = #tpu.dot_dimension_numbers<[1], [0], [0], [1], [0, 0, 1, 1], [], []>, precision = #tpu.contract_precision<fp32>, transpose_lhs_hint = false} : vector<1000x32xf32>, vector<32x33xf32>, vector<1000x33xf32> -> vector<1000x33xf32>
    %get3A_20 = arith.constant 0 : index
    %get3A_21 = arith.constant 0 : index
    %get3A_22 = vector.load %arg6[%get3A_20, %get3A_21] : memref<3x33xf32, #tpu.memory_space<vmem>>, vector<3x33xf32>
    %dot_general3A_23 = arith.constant dense<0.000000e+00> : vector<1000x33xf32>
    %dot_general3A_24 = tpu.matmul %get3A_14, %get3A_22, %dot_general3A_23 {dimension_numbers = #tpu.dot_dimension_numbers<[1], [0], [0], [1], [0, 0, 1, 1], [], []>, precision = #tpu.contract_precision<fp32>, transpose_lhs_hint = false} : vector<1000x3xf32>, vector<3x33xf32>, vector<1000x33xf32> -> vector<1000x33xf32>
    %add3A_25 = arith.addf %dot_general3A_19, %dot_general3A_24 : vector<1000x33xf32>
    %broadcast_in_dim3A = arith.constant 0.000000e+00 : f32
    %broadcast_in_dim3A_26 = vector.broadcast %broadcast_in_dim3A : f32 to vector<1000x28xf32>
    %concatenate3A = tpu.concatenate %add3A_25, %get3A_14, %broadcast_in_dim3A_26 in 1 : vector<1000x33xf32>, vector<1000x3xf32>, vector<1000x28xf32> -> vector<1000x64xf32>
    %swap3A = arith.constant 0 : index
    %swap3A_27 = arith.constant 0 : index
    %swap3A_28 = vector.load %arg7[%swap3A, %swap3A_27] : memref<1000x64xf32, #tpu.memory_space<vmem>>, vector<1000x64xf32>
    tpu.vector_store %arg7[%swap3A, %swap3A_27], %concatenate3A {strides = array<i32>} : memref<1000x64xf32, #tpu.memory_space<vmem>>, vector<1000x64xf32>,
    %broadcast_in_dim3A_29 = arith.constant 0.000000e+00 : f32
    %broadcast_in_dim3A_30 = vector.broadcast %broadcast_in_dim3A_29 : f32 to vector<1000x13xf32>
    %concatenate3A_31 = tpu.concatenate %get3A_14, %broadcast_in_dim3A_30 in 1 : vector<1000x3xf32>, vector<1000x13xf32> -> vector<1000x16xf32>
    %swap3A_32 = arith.constant 0 : index
    %swap3A_33 = arith.constant 0 : index
    %swap3A_34 = vector.load %arg8[%swap3A_32, %swap3A_33] : memref<1000x16xf32, #tpu.memory_space<vmem>>, vector<1000x16xf32>
    tpu.vector_store %arg8[%swap3A_32, %swap3A_33], %concatenate3A_31 {strides = array<i32>} : memref<1000x16xf32, #tpu.memory_space<vmem>>, vector<1000x16xf32>,
    return
  }
  func.func @transform_0(%arg0: i32) -> (i32, i32) {
    %c0_i32 = arith.constant 0 : i32
    %c0_i32_0 = arith.constant 0 : i32
    return %arg0, %c0_i32 : i32, i32
  }
  func.func @transform_1(%arg0: i32) -> (i32, i32) {
    %c0_i32 = arith.constant 0 : i32
    %c0_i32_0 = arith.constant 0 : i32
    return %arg0, %c0_i32 : i32, i32
  }
  func.func @transform_2(%arg0: i32) -> (i32, i32) {
    %c0_i32 = arith.constant 0 : i32
    %c0_i32_0 = arith.constant 0 : i32
    %c0_i32_1 = arith.constant 0 : i32
    return %c0_i32, %c0_i32_0 : i32, i32
  }
  func.func @transform_3(%arg0: i32) -> (i32, i32) {
    %c0_i32 = arith.constant 0 : i32
    %c0_i32_0 = arith.constant 0 : i32
    %c0_i32_1 = arith.constant 0 : i32
    return %c0_i32, %c0_i32_0 : i32, i32
  }
  func.func @transform_4(%arg0: i32) -> (i32, i32) {
    %c0_i32 = arith.constant 0 : i32
    %c0_i32_0 = arith.constant 0 : i32
    %c0_i32_1 = arith.constant 0 : i32
    return %c0_i32, %c0_i32_0 : i32, i32
  }
  func.func @transform_5(%arg0: i32) -> (i32, i32) {
    %c0_i32 = arith.constant 0 : i32
    %c0_i32_0 = arith.constant 0 : i32
    %c0_i32_1 = arith.constant 0 : i32
    return %c0_i32, %c0_i32_0 : i32, i32
  }
  func.func @transform_6(%arg0: i32) -> (i32, i32) {
    %c0_i32 = arith.constant 0 : i32
    %c0_i32_0 = arith.constant 0 : i32
    return %arg0, %c0_i32 : i32, i32
  }
  func.func @transform_7(%arg0: i32) -> (i32, i32) {
    %c0_i32 = arith.constant 0 : i32
    %c0_i32_0 = arith.constant 0 : i32
    return %arg0, %c0_i32 : i32, i32
  }
}

module attributes {stable_mosaic.version = 14 : i64} {
  func.func @_edge_body(%arg0: i32, %arg1: memref<1024x64xf32, #tpu.memory_space<vmem>>, %arg2: memref<1024x16xf32, #tpu.memory_space<vmem>>, %arg3: memref<3x32xf32, #tpu.memory_space<vmem>>, %arg4: memref<1x32xf32, #tpu.memory_space<vmem>>, %arg5: memref<32x1024xf32, #tpu.memory_space<vmem>>, %arg6: memref<32x1024xf32, #tpu.memory_space<vmem>>, %arg7: memref<1x1024xf32, #tpu.memory_space<vmem>>, %arg8: memref<32x1024xf32, #tpu.memory_space<vmem>>, %arg9: memref<1024x32xf32, #tpu.memory_space<vmem>>, %arg10: memref<1024x32xf32, #tpu.memory_space<vmem>>) attributes {dimension_semantics = [#tpu.dimension_semantics<arbitrary>], iteration_bounds = array<i64: 160>, scalar_prefetch = 0 : i64, scratch_operands = 0 : i64, tpu.core_type = #tpu.core_type<tc>, window_params = [{transform_indices = @transform_0, window_bounds = array<i64: 1024, 64>}, {transform_indices = @transform_1, window_bounds = array<i64: 1024, 16>}, {pipeline_mode = #tpu.pipeline_mode<synchronous>, transform_indices = @transform_2, window_bounds = array<i64: 3, 32>}, {pipeline_mode = #tpu.pipeline_mode<synchronous>, transform_indices = @transform_3, window_bounds = array<i64: 1, 32>}, {pipeline_mode = #tpu.pipeline_mode<synchronous>, transform_indices = @transform_4, window_bounds = array<i64: 32, 1024>}, {pipeline_mode = #tpu.pipeline_mode<synchronous>, transform_indices = @transform_5, window_bounds = array<i64: 32, 1024>}, {pipeline_mode = #tpu.pipeline_mode<synchronous>, transform_indices = @transform_6, window_bounds = array<i64: 1, 1024>}, {pipeline_mode = #tpu.pipeline_mode<synchronous>, transform_indices = @transform_7, window_bounds = array<i64: 32, 1024>}, {pipeline_mode = #tpu.pipeline_mode<synchronous>, transform_indices = @transform_8, window_bounds = array<i64: 1024, 32>}, {transform_indices = @transform_9, window_bounds = array<i64: 1024, 32>}]} {
    %get3A = arith.constant 0 : index
    %get3A_0 = arith.constant 0 : index
    %get3A_1 = vector.load %arg1[%get3A, %get3A_0] : memref<1024x64xf32, #tpu.memory_space<vmem>>, vector<1024x64xf32>
    %slice3A = vector.extract_strided_slice %get3A_1 {offsets = [0, 0], sizes = [1024, 32], strides = [1, 1]} : vector<1024x64xf32> to vector<1024x32xf32>
    %slice3A_2 = vector.extract_strided_slice %get3A_1 {offsets = [0, 32], sizes = [1024, 1], strides = [1, 1]} : vector<1024x64xf32> to vector<1024x1xf32>
    %slice3A_3 = vector.extract_strided_slice %get3A_1 {offsets = [0, 33], sizes = [1024, 3], strides = [1, 1]} : vector<1024x64xf32> to vector<1024x3xf32>
    %get3A_4 = arith.constant 0 : index
    %get3A_5 = arith.constant 0 : index
    %get3A_6 = vector.load %arg2[%get3A_4, %get3A_5] : memref<1024x16xf32, #tpu.memory_space<vmem>>, vector<1024x3xf32>
    %sub3A = arith.subf %get3A_6, %slice3A_3 : vector<1024x3xf32>
    %slice3A_7 = vector.extract_strided_slice %sub3A {offsets = [0, 0], sizes = [1024, 1], strides = [1, 1]} : vector<1024x3xf32> to vector<1024x1xf32>
    %slice3A_8 = vector.extract_strided_slice %sub3A {offsets = [0, 1], sizes = [1024, 1], strides = [1, 1]} : vector<1024x3xf32> to vector<1024x1xf32>
    %slice3A_9 = vector.extract_strided_slice %sub3A {offsets = [0, 2], sizes = [1024, 1], strides = [1, 1]} : vector<1024x3xf32> to vector<1024x1xf32>
    %mul3A = arith.mulf %slice3A_7, %slice3A_7 : vector<1024x1xf32>
    %mul3A_10 = arith.mulf %slice3A_8, %slice3A_8 : vector<1024x1xf32>
    %add3A = arith.addf %mul3A, %mul3A_10 : vector<1024x1xf32>
    %mul3A_11 = arith.mulf %slice3A_9, %slice3A_9 : vector<1024x1xf32>
    %add3A_12 = arith.addf %add3A, %mul3A_11 : vector<1024x1xf32>
    %gt3A = arith.constant 0.000000e+00 : f32
    %gt3A_13 = vector.broadcast %gt3A : f32 to vector<1024x1xf32>
    %gt3A_14 = arith.cmpf ogt, %add3A_12, %gt3A_13 : vector<1024x1xf32>
    %jit3A = arith.constant 1.000000e+00 : f32
    %broadcast_in_dim3A = vector.broadcast %jit3A : f32 to vector<1024x1xf32>
    %select_n3A = arith.select %gt3A_14, %add3A_12, %broadcast_in_dim3A : vector<1024x1xi1>, vector<1024x1xf32>
    %sqrt3A = math.sqrt %select_n3A : vector<1024x1xf32>
    %jit3A_15 = arith.constant 0.000000e+00 : f32
    %broadcast_in_dim3A_16 = vector.broadcast %jit3A_15 : f32 to vector<1024x1xf32>
    %select_n3A_17 = arith.select %gt3A_14, %sqrt3A, %broadcast_in_dim3A_16 : vector<1024x1xi1>, vector<1024x1xf32>
    %mul3A_18 = arith.mulf %slice3A_7, %slice3A_7 : vector<1024x1xf32>
    %mul3A_19 = arith.mulf %slice3A_8, %slice3A_8 : vector<1024x1xf32>
    %add3A_20 = arith.addf %mul3A_18, %mul3A_19 : vector<1024x1xf32>
    %gt3A_21 = arith.constant 0.000000e+00 : f32
    %gt3A_22 = vector.broadcast %gt3A_21 : f32 to vector<1024x1xf32>
    %gt3A_23 = arith.cmpf ogt, %add3A_20, %gt3A_22 : vector<1024x1xf32>
    %jit3A_24 = arith.constant 1.000000e+00 : f32
    %broadcast_in_dim3A_25 = vector.broadcast %jit3A_24 : f32 to vector<1024x1xf32>
    %select_n3A_26 = arith.select %gt3A_23, %slice3A_7, %broadcast_in_dim3A_25 : vector<1024x1xi1>, vector<1024x1xf32>
    %atan23A = math.atan2 %slice3A_8, %select_n3A_26 : vector<1024x1xf32>
    %div3A = arith.divf %slice3A_9, %sqrt3A : vector<1024x1xf32>
    %jit3A_27 = arith.constant -1.000000e+00 : f32
    %jit3A_28 = arith.constant 1.000000e+00 : f32
    %max3A = vector.broadcast %jit3A_27 : f32 to vector<1024x1xf32>
    %max3A_29 = arith.maximumf %max3A, %div3A : vector<1024x1xf32>
    %min3A = vector.broadcast %jit3A_28 : f32 to vector<1024x1xf32>
    %min3A_30 = arith.minimumf %min3A, %max3A_29 : vector<1024x1xf32>
    %mul3A_31 = arith.mulf %min3A_30, %min3A_30 : vector<1024x1xf32>
    %sub3A_32 = arith.constant 1.000000e+00 : f32
    %sub3A_33 = vector.broadcast %sub3A_32 : f32 to vector<1024x1xf32>
    %sub3A_34 = arith.subf %sub3A_33, %mul3A_31 : vector<1024x1xf32>
    %max3A_35 = arith.constant 0.000000e+00 : f32
    %max3A_36 = vector.broadcast %max3A_35 : f32 to vector<1024x1xf32>
    %max3A_37 = arith.maximumf %sub3A_34, %max3A_36 : vector<1024x1xf32>
    %sqrt3A_38 = math.sqrt %max3A_37 : vector<1024x1xf32>
    %atan23A_39 = math.atan2 %min3A_30, %sqrt3A_38 : vector<1024x1xf32>
    %jit3A_40 = arith.constant 0.000000e+00 : f32
    %broadcast_in_dim3A_41 = vector.broadcast %jit3A_40 : f32 to vector<1024x1xf32>
    %select_n3A_42 = arith.select %gt3A_14, %atan23A, %broadcast_in_dim3A_41 : vector<1024x1xi1>, vector<1024x1xf32>
    %mul3A_43 = arith.constant 0.318309873 : f32
    %mul3A_44 = vector.broadcast %mul3A_43 : f32 to vector<1024x1xf32>
    %mul3A_45 = arith.mulf %mul3A_44, %select_n3A_42 : vector<1024x1xf32>
    %jit3A_46 = arith.constant 0.000000e+00 : f32
    %broadcast_in_dim3A_47 = vector.broadcast %jit3A_46 : f32 to vector<1024x1xf32>
    %select_n3A_48 = arith.select %gt3A_14, %atan23A_39, %broadcast_in_dim3A_47 : vector<1024x1xi1>, vector<1024x1xf32>
    %mul3A_49 = arith.constant 0.318309873 : f32
    %mul3A_50 = vector.broadcast %mul3A_49 : f32 to vector<1024x1xf32>
    %mul3A_51 = arith.mulf %mul3A_50, %select_n3A_48 : vector<1024x1xf32>
    %get3A_52 = arith.constant 0 : index
    %get3A_53 = arith.constant 0 : index
    %get3A_54 = vector.load %arg3[%get3A_52, %get3A_53] : memref<3x32xf32, #tpu.memory_space<vmem>>, vector<3x32xf32>
    %slice3A_55 = vector.extract_strided_slice %get3A_54 {offsets = [0, 0], sizes = [1, 32], strides = [1, 1]} : vector<3x32xf32> to vector<1x32xf32>
    %mul3A_56 = vector.broadcast %select_n3A_17 : vector<1024x1xf32> to vector<1024x32xf32>
    %mul3A_57 = vector.broadcast %slice3A_55 : vector<1x32xf32> to vector<1024x32xf32>
    %mul3A_58 = arith.mulf %mul3A_56, %mul3A_57 : vector<1024x32xf32>
    %slice3A_59 = vector.extract_strided_slice %get3A_54 {offsets = [1, 0], sizes = [1, 32], strides = [1, 1]} : vector<3x32xf32> to vector<1x32xf32>
    %mul3A_60 = vector.broadcast %mul3A_45 : vector<1024x1xf32> to vector<1024x32xf32>
    %mul3A_61 = vector.broadcast %slice3A_59 : vector<1x32xf32> to vector<1024x32xf32>
    %mul3A_62 = arith.mulf %mul3A_60, %mul3A_61 : vector<1024x32xf32>
    %add3A_63 = arith.addf %mul3A_58, %mul3A_62 : vector<1024x32xf32>
    %slice3A_64 = vector.extract_strided_slice %get3A_54 {offsets = [2, 0], sizes = [1, 32], strides = [1, 1]} : vector<3x32xf32> to vector<1x32xf32>
    %mul3A_65 = vector.broadcast %mul3A_51 : vector<1024x1xf32> to vector<1024x32xf32>
    %mul3A_66 = vector.broadcast %slice3A_64 : vector<1x32xf32> to vector<1024x32xf32>
    %mul3A_67 = arith.mulf %mul3A_65, %mul3A_66 : vector<1024x32xf32>
    %add3A_68 = arith.addf %add3A_63, %mul3A_67 : vector<1024x32xf32>
    %get3A_69 = arith.constant 0 : index
    %get3A_70 = arith.constant 0 : index
    %get3A_71 = vector.load %arg4[%get3A_69, %get3A_70] : memref<1x32xf32, #tpu.memory_space<vmem>>, vector<1x32xf32>
    %add3A_72 = vector.broadcast %get3A_71 : vector<1x32xf32> to vector<1024x32xf32>
    %add3A_73 = arith.addf %add3A_68, %add3A_72 : vector<1024x32xf32>
    %sin3A = math.sin %add3A_73 : vector<1024x32xf32>
    %cos3A = math.cos %add3A_73 : vector<1024x32xf32>
    %get3A_74 = arith.constant 0 : index
    %get3A_75 = arith.constant 0 : index
    %get3A_76 = vector.load %arg5[%get3A_74, %get3A_75] : memref<32x1024xf32, #tpu.memory_space<vmem>>, vector<32x1024xf32>
    %dot_general3A = arith.constant dense<0.000000e+00> : vector<1024x1024xf32>
    %dot_general3A_77 = tpu.matmul %sin3A, %get3A_76, %dot_general3A {dimension_numbers = #tpu.dot_dimension_numbers<[1], [0], [0], [1], [0, 0, 1, 1], [], []>, precision = #tpu.contract_precision<fp32>, transpose_lhs_hint = false} : vector<1024x32xf32>, vector<32x1024xf32>, vector<1024x1024xf32> -> vector<1024x1024xf32>
    %get3A_78 = arith.constant 0 : index
    %get3A_79 = arith.constant 0 : index
    %get3A_80 = vector.load %arg6[%get3A_78, %get3A_79] : memref<32x1024xf32, #tpu.memory_space<vmem>>, vector<32x1024xf32>
    %dot_general3A_81 = arith.constant dense<0.000000e+00> : vector<1024x1024xf32>
    %dot_general3A_82 = tpu.matmul %cos3A, %get3A_80, %dot_general3A_81 {dimension_numbers = #tpu.dot_dimension_numbers<[1], [0], [0], [1], [0, 0, 1, 1], [], []>, precision = #tpu.contract_precision<fp32>, transpose_lhs_hint = false} : vector<1024x32xf32>, vector<32x1024xf32>, vector<1024x1024xf32> -> vector<1024x1024xf32>
    %add3A_83 = arith.addf %dot_general3A_77, %dot_general3A_82 : vector<1024x1024xf32>
    %get3A_84 = arith.constant 0 : index
    %get3A_85 = arith.constant 0 : index
    %get3A_86 = vector.load %arg7[%get3A_84, %get3A_85] : memref<1x1024xf32, #tpu.memory_space<vmem>>, vector<1x1024xf32>
    %add3A_87 = vector.broadcast %get3A_86 : vector<1x1024xf32> to vector<1024x1024xf32>
    %add3A_88 = arith.addf %add3A_83, %add3A_87 : vector<1024x1024xf32>
    %mul3A_89 = arith.mulf %add3A_88, %add3A_88 : vector<1024x1024xf32>
    %mul3A_90 = arith.constant 2.75573188E-6 : f32
    %mul3A_91 = vector.broadcast %mul3A_90 : f32 to vector<1024x1024xf32>
    %mul3A_92 = arith.mulf %mul3A_89, %mul3A_91 : vector<1024x1024xf32>
    %add3A_93 = arith.constant -1.98412701E-4 : f32
    %add3A_94 = vector.broadcast %add3A_93 : f32 to vector<1024x1024xf32>
    %add3A_95 = arith.addf %add3A_94, %mul3A_92 : vector<1024x1024xf32>
    %mul3A_96 = arith.mulf %mul3A_89, %add3A_95 : vector<1024x1024xf32>
    %add3A_97 = arith.constant 0.00833333377 : f32
    %add3A_98 = vector.broadcast %add3A_97 : f32 to vector<1024x1024xf32>
    %add3A_99 = arith.addf %add3A_98, %mul3A_96 : vector<1024x1024xf32>
    %mul3A_100 = arith.mulf %mul3A_89, %add3A_99 : vector<1024x1024xf32>
    %add3A_101 = arith.constant -0.166666672 : f32
    %add3A_102 = vector.broadcast %add3A_101 : f32 to vector<1024x1024xf32>
    %add3A_103 = arith.addf %add3A_102, %mul3A_100 : vector<1024x1024xf32>
    %mul3A_104 = arith.mulf %mul3A_89, %add3A_103 : vector<1024x1024xf32>
    %add3A_105 = arith.constant 1.000000e+00 : f32
    %add3A_106 = vector.broadcast %add3A_105 : f32 to vector<1024x1024xf32>
    %add3A_107 = arith.addf %add3A_106, %mul3A_104 : vector<1024x1024xf32>
    %mul3A_108 = arith.mulf %add3A_88, %add3A_107 : vector<1024x1024xf32>
    %get3A_109 = arith.constant 0 : index
    %get3A_110 = arith.constant 0 : index
    %get3A_111 = vector.load %arg8[%get3A_109, %get3A_110] : memref<32x1024xf32, #tpu.memory_space<vmem>>, vector<32x1024xf32>
    %dot_general3A_112 = arith.constant dense<0.000000e+00> : vector<1024x1024xf32>
    %dot_general3A_113 = tpu.matmul %slice3A, %get3A_111, %dot_general3A_112 {dimension_numbers = #tpu.dot_dimension_numbers<[1], [0], [0], [1], [0, 0, 1, 1], [], []>, precision = #tpu.contract_precision<fp32>, transpose_lhs_hint = false} : vector<1024x32xf32>, vector<32x1024xf32>, vector<1024x1024xf32> -> vector<1024x1024xf32>
    %mul3A_114 = arith.mulf %mul3A_108, %dot_general3A_113 : vector<1024x1024xf32>
    %get3A_115 = arith.constant 0 : index
    %get3A_116 = arith.constant 0 : index
    %get3A_117 = vector.load %arg9[%get3A_115, %get3A_116] : memref<1024x32xf32, #tpu.memory_space<vmem>>, vector<1024x32xf32>
    %dot_general3A_118 = arith.constant dense<0.000000e+00> : vector<1024x32xf32>
    %dot_general3A_119 = tpu.matmul %mul3A_114, %get3A_117, %dot_general3A_118 {dimension_numbers = #tpu.dot_dimension_numbers<[1], [0], [0], [1], [0, 0, 1, 1], [], []>, precision = #tpu.contract_precision<fp32>, transpose_lhs_hint = false} : vector<1024x1024xf32>, vector<1024x32xf32>, vector<1024x32xf32> -> vector<1024x32xf32>
    %add3A_120 = vector.broadcast %slice3A_2 : vector<1024x1xf32> to vector<1024x32xf32>
    %add3A_121 = arith.addf %dot_general3A_119, %add3A_120 : vector<1024x32xf32>
    %mul3A_122 = arith.constant 1024 : i32
    %mul3A_123 = arith.muli %arg0, %mul3A_122 : i32
    %iota3A = tpu.iota {dimensions = array<i32: 0>} : vector<1024x1xi32>
    %add3A_124 = vector.broadcast %mul3A_123 : i32 to vector<1024x1xi32>
    %add3A_125 = arith.addi %add3A_124, %iota3A : vector<1024x1xi32>
    %lt3A = arith.constant 160000 : i32
    %lt3A_126 = vector.broadcast %lt3A : i32 to vector<1024x1xi32>
    %lt3A_127 = arith.cmpi slt, %add3A_125, %lt3A_126 : vector<1024x1xi32>
    %jit3A_128 = arith.constant 0.000000e+00 : f32
    %broadcast_in_dim3A_129 = vector.shape_cast %lt3A_127 : vector<1024x1xi1> to vector<1024x1xi1>
    %broadcast_in_dim3A_130 = vector.broadcast %broadcast_in_dim3A_129 : vector<1024x1xi1> to vector<1024x32xi1>
    %broadcast_in_dim3A_131 = vector.broadcast %jit3A_128 : f32 to vector<1024x32xf32>
    %select_n3A_132 = arith.select %broadcast_in_dim3A_130, %add3A_121, %broadcast_in_dim3A_131 : vector<1024x32xi1>, vector<1024x32xf32>
    %swap3A = arith.constant 0 : index
    %swap3A_133 = arith.constant 0 : index
    %swap3A_134 = vector.load %arg10[%swap3A, %swap3A_133] : memref<1024x32xf32, #tpu.memory_space<vmem>>, vector<1024x32xf32>
    tpu.vector_store %arg10[%swap3A, %swap3A_133], %select_n3A_132 {strides = array<i32>} : memref<1024x32xf32, #tpu.memory_space<vmem>>, vector<1024x32xf32>,
    return
  }
  func.func @transform_0(%arg0: i32) -> (i32, i32) {
    %c0_i32 = arith.constant 0 : i32
    %c0_i32_0 = arith.constant 0 : i32
    return %arg0, %c0_i32 : i32, i32
  }
  func.func @transform_1(%arg0: i32) -> (i32, i32) {
    %c0_i32 = arith.constant 0 : i32
    %c0_i32_0 = arith.constant 0 : i32
    return %arg0, %c0_i32 : i32, i32
  }
  func.func @transform_2(%arg0: i32) -> (i32, i32) {
    %c0_i32 = arith.constant 0 : i32
    %c0_i32_0 = arith.constant 0 : i32
    %c0_i32_1 = arith.constant 0 : i32
    return %c0_i32, %c0_i32_0 : i32, i32
  }
  func.func @transform_3(%arg0: i32) -> (i32, i32) {
    %c0_i32 = arith.constant 0 : i32
    %c0_i32_0 = arith.constant 0 : i32
    %c0_i32_1 = arith.constant 0 : i32
    return %c0_i32, %c0_i32_0 : i32, i32
  }
  func.func @transform_4(%arg0: i32) -> (i32, i32) {
    %c0_i32 = arith.constant 0 : i32
    %c0_i32_0 = arith.constant 0 : i32
    %c0_i32_1 = arith.constant 0 : i32
    return %c0_i32, %c0_i32_0 : i32, i32
  }
  func.func @transform_5(%arg0: i32) -> (i32, i32) {
    %c0_i32 = arith.constant 0 : i32
    %c0_i32_0 = arith.constant 0 : i32
    %c0_i32_1 = arith.constant 0 : i32
    return %c0_i32, %c0_i32_0 : i32, i32
  }
  func.func @transform_6(%arg0: i32) -> (i32, i32) {
    %c0_i32 = arith.constant 0 : i32
    %c0_i32_0 = arith.constant 0 : i32
    %c0_i32_1 = arith.constant 0 : i32
    return %c0_i32, %c0_i32_0 : i32, i32
  }
  func.func @transform_7(%arg0: i32) -> (i32, i32) {
    %c0_i32 = arith.constant 0 : i32
    %c0_i32_0 = arith.constant 0 : i32
    %c0_i32_1 = arith.constant 0 : i32
    return %c0_i32, %c0_i32_0 : i32, i32
  }
  func.func @transform_8(%arg0: i32) -> (i32, i32) {
    %c0_i32 = arith.constant 0 : i32
    %c0_i32_0 = arith.constant 0 : i32
    %c0_i32_1 = arith.constant 0 : i32
    return %c0_i32, %c0_i32_0 : i32, i32
  }
  func.func @transform_9(%arg0: i32) -> (i32, i32) {
    %c0_i32 = arith.constant 0 : i32
    %c0_i32_0 = arith.constant 0 : i32
    return %arg0, %c0_i32 : i32, i32
  }
}

module attributes {stable_mosaic.version = 14 : i64} {
  func.func @_final_body(%arg0: i32, %arg1: memref<2x1000x32xf32, #tpu.memory_space<vmem>>, %arg2: memref<1000x64xf32, #tpu.memory_space<vmem>>, %arg3: memref<32x32xf32, #tpu.memory_space<vmem>>, %arg4: memref<1x32xf32, #tpu.memory_space<vmem>>, %arg5: memref<32x32xf32, #tpu.memory_space<vmem>>, %arg6: memref<1x32xf32, #tpu.memory_space<vmem>>, %arg7: memref<1000x32xf32, #tpu.memory_space<vmem>>) attributes {dimension_semantics = [#tpu.dimension_semantics<arbitrary>], iteration_bounds = array<i64: 10>, scalar_prefetch = 0 : i64, scratch_operands = 0 : i64, tpu.core_type = #tpu.core_type<tc>, window_params = [{transform_indices = @transform_0, window_bounds = array<i64: 2, 1000, 32>}, {transform_indices = @transform_1, window_bounds = array<i64: 1000, 64>}, {pipeline_mode = #tpu.pipeline_mode<synchronous>, transform_indices = @transform_2, window_bounds = array<i64: 32, 32>}, {pipeline_mode = #tpu.pipeline_mode<synchronous>, transform_indices = @transform_3, window_bounds = array<i64: 1, 32>}, {pipeline_mode = #tpu.pipeline_mode<synchronous>, transform_indices = @transform_4, window_bounds = array<i64: 32, 32>}, {pipeline_mode = #tpu.pipeline_mode<synchronous>, transform_indices = @transform_5, window_bounds = array<i64: 1, 32>}, {transform_indices = @transform_6, window_bounds = array<i64: 1000, 32>}]} {
    %get3A = arith.constant 0 : index
    %get3A_0 = arith.constant 0 : index
    %get3A_1 = arith.constant 0 : index
    %get3A_2 = vector.load %arg1[%get3A, %get3A_0, %get3A_1] : memref<2x1000x32xf32, #tpu.memory_space<vmem>>, vector<1x1000x32xf32>
    %get3A_3 = vector.shape_cast %get3A_2 : vector<1x1000x32xf32> to vector<1000x32xf32>
    %get3A_4 = arith.constant 1 : index
    %get3A_5 = arith.constant 0 : index
    %get3A_6 = arith.constant 0 : index
    %get3A_7 = vector.load %arg1[%get3A_4, %get3A_5, %get3A_6] : memref<2x1000x32xf32, #tpu.memory_space<vmem>>, vector<1x1000x32xf32>
    %get3A_8 = vector.shape_cast %get3A_7 : vector<1x1000x32xf32> to vector<1000x32xf32>
    %add3A = arith.addf %get3A_3, %get3A_8 : vector<1000x32xf32>
    %get3A_9 = arith.constant 0 : index
    %get3A_10 = arith.constant 0 : index
    %get3A_11 = vector.load %arg2[%get3A_9, %get3A_10] : memref<1000x64xf32, #tpu.memory_space<vmem>>, vector<1000x64xf32>
    %slice3A = vector.extract_strided_slice %get3A_11 {offsets = [0, 0], sizes = [1000, 32], strides = [1, 1]} : vector<1000x64xf32> to vector<1000x32xf32>
    %slice3A_12 = vector.extract_strided_slice %get3A_11 {offsets = [0, 32], sizes = [1000, 1], strides = [1, 1]} : vector<1000x64xf32> to vector<1000x1xf32>
    %get3A_13 = arith.constant 0 : index
    %get3A_14 = arith.constant 0 : index
    %get3A_15 = vector.load %arg3[%get3A_13, %get3A_14] : memref<32x32xf32, #tpu.memory_space<vmem>>, vector<32x32xf32>
    %dot_general3A = arith.constant dense<0.000000e+00> : vector<1000x32xf32>
    %dot_general3A_16 = tpu.matmul %slice3A, %get3A_15, %dot_general3A {dimension_numbers = #tpu.dot_dimension_numbers<[1], [0], [0], [1], [0, 0, 1, 1], [], []>, precision = #tpu.contract_precision<fp32>, transpose_lhs_hint = false} : vector<1000x32xf32>, vector<32x32xf32>, vector<1000x32xf32> -> vector<1000x32xf32>
    %add3A_17 = vector.broadcast %slice3A_12 : vector<1000x1xf32> to vector<1000x32xf32>
    %add3A_18 = arith.addf %dot_general3A_16, %add3A_17 : vector<1000x32xf32>
    %add3A_19 = arith.addf %add3A, %add3A_18 : vector<1000x32xf32>
    %get3A_20 = arith.constant 0 : index
    %get3A_21 = arith.constant 0 : index
    %get3A_22 = vector.load %arg4[%get3A_20, %get3A_21] : memref<1x32xf32, #tpu.memory_space<vmem>>, vector<1x32xf32>
    %add3A_23 = vector.broadcast %get3A_22 : vector<1x32xf32> to vector<1000x32xf32>
    %add3A_24 = arith.addf %add3A_19, %add3A_23 : vector<1000x32xf32>
    %mul3A = arith.constant 0.00999999977 : f32
    %mul3A_25 = vector.broadcast %mul3A : f32 to vector<1000x32xf32>
    %mul3A_26 = arith.mulf %mul3A_25, %add3A_24 : vector<1000x32xf32>
    %sin3A = math.sin %mul3A_26 : vector<1000x32xf32>
    %get3A_27 = arith.constant 0 : index
    %get3A_28 = arith.constant 0 : index
    %get3A_29 = vector.load %arg5[%get3A_27, %get3A_28] : memref<32x32xf32, #tpu.memory_space<vmem>>, vector<32x32xf32>
    %dot_general3A_30 = arith.constant dense<0.000000e+00> : vector<1000x32xf32>
    %dot_general3A_31 = tpu.matmul %sin3A, %get3A_29, %dot_general3A_30 {dimension_numbers = #tpu.dot_dimension_numbers<[1], [0], [0], [1], [0, 0, 1, 1], [], []>, precision = #tpu.contract_precision<fp32>, transpose_lhs_hint = false} : vector<1000x32xf32>, vector<32x32xf32>, vector<1000x32xf32> -> vector<1000x32xf32>
    %get3A_32 = arith.constant 0 : index
    %get3A_33 = arith.constant 0 : index
    %get3A_34 = vector.load %arg6[%get3A_32, %get3A_33] : memref<1x32xf32, #tpu.memory_space<vmem>>, vector<1x32xf32>
    %add3A_35 = vector.broadcast %get3A_34 : vector<1x32xf32> to vector<1000x32xf32>
    %add3A_36 = arith.addf %dot_general3A_31, %add3A_35 : vector<1000x32xf32>
    %mul3A_37 = arith.constant 0.00999999977 : f32
    %mul3A_38 = vector.broadcast %mul3A_37 : f32 to vector<1000x32xf32>
    %mul3A_39 = arith.mulf %mul3A_38, %add3A_36 : vector<1000x32xf32>
    %sin3A_40 = math.sin %mul3A_39 : vector<1000x32xf32>
    %swap3A = arith.constant 0 : index
    %swap3A_41 = arith.constant 0 : index
    %swap3A_42 = vector.load %arg7[%swap3A, %swap3A_41] : memref<1000x32xf32, #tpu.memory_space<vmem>>, vector<1000x32xf32>
    tpu.vector_store %arg7[%swap3A, %swap3A_41], %sin3A_40 {strides = array<i32>} : memref<1000x32xf32, #tpu.memory_space<vmem>>, vector<1000x32xf32>,
    return
  }
  func.func @transform_0(%arg0: i32) -> (i32, i32, i32) {
    %c0_i32 = arith.constant 0 : i32
    %c0_i32_0 = arith.constant 0 : i32
    %c0_i32_1 = arith.constant 0 : i32
    return %c0_i32, %arg0, %c0_i32_0 : i32, i32, i32
  }
  func.func @transform_1(%arg0: i32) -> (i32, i32) {
    %c0_i32 = arith.constant 0 : i32
    %c0_i32_0 = arith.constant 0 : i32
    return %arg0, %c0_i32 : i32, i32
  }
  func.func @transform_2(%arg0: i32) -> (i32, i32) {
    %c0_i32 = arith.constant 0 : i32
    %c0_i32_0 = arith.constant 0 : i32
    %c0_i32_1 = arith.constant 0 : i32
    return %c0_i32, %c0_i32_0 : i32, i32
  }
  func.func @transform_3(%arg0: i32) -> (i32, i32) {
    %c0_i32 = arith.constant 0 : i32
    %c0_i32_0 = arith.constant 0 : i32
    %c0_i32_1 = arith.constant 0 : i32
    return %c0_i32, %c0_i32_0 : i32, i32
  }
  func.func @transform_4(%arg0: i32) -> (i32, i32) {
    %c0_i32 = arith.constant 0 : i32
    %c0_i32_0 = arith.constant 0 : i32
    %c0_i32_1 = arith.constant 0 : i32
    return %c0_i32, %c0_i32_0 : i32, i32
  }
  func.func @transform_5(%arg0: i32) -> (i32, i32) {
    %c0_i32 = arith.constant 0 : i32
    %c0_i32_0 = arith.constant 0 : i32
    %c0_i32_1 = arith.constant 0 : i32
    return %c0_i32, %c0_i32_0 : i32, i32
  }
  func.func @transform_6(%arg0: i32) -> (i32, i32) {
    %c0_i32 = arith.constant 0 : i32
    %c0_i32_0 = arith.constant 0 : i32
    return %arg0, %c0_i32 : i32, i32
  }
}

</mosaic_0001>

<sc_bundles>
// kernel: kernel.10.cloned.1.call-start
scs
__scs_entry_jumppad:
0x0: {  	(pc) =	sbr.rel $0x88, $3  }
0x1: {  	(tag) =	ssettag $0x0;
	lr =	simm.s32 $0x1  }
0x2: {  	[smem:$0x3F93] =	sst lr;
	_ =	strace $0xD0000000  }
0x3: {  	_ = 	snop  }
0x4: {  	_ = 	snop  }
0x5: {  	_ = 	snop  }
0x6: {  	_ = 	snop  }
0x7: {  	_ = 	snop  }
__scs_overlays_trampoline_lowered:
0x8: {  	[smem:$0x3FA2] =	sst s0  }
0x9: {  	[smem:$0x3FA3] =	sst s1  }
0xa: {  	[smem:$0x3FA4] =	sst s2  }
0xb: {  	[smem:$0x3FA5] =	sst s3  }
0xc: {  	[smem:$0x3FA6] =	sst s4  }
0xd: {  	[smem:$0x3FA7] =	sst s5  }
0xe: {  	[smem:$0x3FA8] =	sst s6  }
0xf: {  	[smem:$0x3FA9] =	sst s7  }
0x10: {  	[smem:$0x3FAA] =	sst s8  }
0x11: {  	[smem:$0x3FAB] =	sst s9;
	s0 =	simm.s32 @!p0 $0x0  }
0x12: {  	s1 =	sld [smem:$0x3F91];
	s0 =	simm.s32 @p0 $0x1  }
0x13: {  	[smem:$0x3FAC] =	sst s0;
	s0 =	simm.s32 @!p1 $0x0  }
0x14: {  	s2 =	sld [smem:$0x3F90];
	s0 =	simm.s32 @p1 $0x1  }
0x15: {  	[smem:$0x3FAD] =	sst s0;
	s0 =	simm.s32 @!p2 $0x0  }
0x16: {  	s3 =	sld [smem:$0x3FDB];
	s0 =	simm.s32 @p2 $0x1  }
0x17: {  	s4 =	simm.s32 $0x1BF5;
	[smem:$0x3FAF] =	sst s0  }
0x18: {  	s0 =	sld [smem:$0x3F92];
	_ =	swait.ge [sflag:s4], $0x0  }
0x19: {  	s7 =	sld [smem:$0x3F93]  }
0x1a: {  	s8 =	sadd.s32 $0xFFFFE003, lr  }
0x1b: {  	s9 =	sadd.s32 $0xFFFFFEF7, lr;
	s5 =	simm.s32 $0xFFFFFFFF;
	p2 =	slt.u32 s8, $0xFFFFF086  }
0x1c: {  	p1 =	slt.u32 s9, $0xF7A;
	s5 =	simm.s32 @!p2 $0x0  }
0x1d: {  	s5 =	simm.s32 @p1 $0x1;
	p0 =	seq.s32 s7, s2  }
0x1e: {  	s7 =	smul.u32 @!p0 $0xF7A, s2;
	p2 =	seq.s32 @!p0 s5, $0x0  }
0x1f: {  	s9 =	smul.u32 $0xF7A, s1;
	s8 =	simm.s32 @!p0 $0x1BF5;
	p2 =	por !p2, p0  }
0x20: {  	[sflag:s8] =	ssyncset.s32 @!p0 $0xFFFFF086;
	s6 =	sadd.s32 @!p0 s3, s7;
	s7 =	simm.s32 @!p0 $0x108  }
0x21: {  	s3 =	sadd.s32 s3, s9;
	s6 =	sadd.s32 @!p0 $0x88, s6;
	s7 =	simm.s32 @p2 $0x1082  }
0x22: {  	[simem:s7], [sflag:s8] =	dma.local @!p0 [hbm:s6], $0xF7A  }
0x23: {  	s9 =	sor.u32 $0xD0000000, s2;
	s6 =	simm.s32 $0x108;
	_ =	swait.ge @!p0 [sflag:s8], $0x0  }
0x24: {  	s3 =	sadd.s32 $0x88, s3;
	s6 =	simm.s32 @!p1 $0x1082;
	[sflag:s4] =	ssyncset.s32 $0xFFFFF086  }
0x25: {  	[simem:s6], [sflag:s4] =	dma.local [hbm:s3], $0xF7A  }
0x26: {  	[smem:$0x3F93] =	sst s1;
	(tag) =	ssettag s2;
	_ =	strace s9  }
0x27: {  	s1 =	sld [smem:$0x3FA3]  }
0x28: {  	s2 =	sld [smem:$0x3FA4]  }
0x29: {  	s4 =	sld [smem:$0x3FA6]  }
0x2a: {  	p0 =	seq.s32 s5, $0x0;
	s5 =	sld [smem:$0x3FA7]  }
0x2b: {  	s6 =	sld [smem:$0x3FA8]  }
0x2c: {  	s7 =	sld [smem:$0x3FA9]  }
0x2d: {  	s3 =	simm.s32 $0x108;
	s8 =	sld [smem:$0x3FAA]  }
0x2e: {  	s3 =	simm.s32 @!p0 $0x1082;
	s9 =	sld [smem:$0x3FAB]  }
0x2f: {  	lr =	sadd.s32 s0, s3;
	s0 =	sld [smem:$0x3FA2]  }
0x30: {  	s3 =	sld [smem:$0x3FA5]  }
0x31: {  	[smem:$0x3FAE] =	sst s10  }
0x32: {  	s10 =	sld [smem:$0x3FAC];
	_ =	sdelay $0x3  }
0x33: {  	p0 =	seq.s32 s10, $0x1;
	s10 =	sld [smem:$0x3FAE];
	_ =	sdelay $0x3  }
0x34: {  	[smem:$0x3FAE] =	sst s10  }
0x35: {  	s10 =	sld [smem:$0x3FAD];
	_ =	sdelay $0x3  }
0x36: {  	p1 =	seq.s32 s10, $0x1;
	s10 =	sld [smem:$0x3FAE];
	_ =	sdelay $0x3  }
0x37: {  	[smem:$0x3FAE] =	sst s10  }
0x38: {  	s10 =	sld [smem:$0x3FAF]  }
0x39: {  	_ = 	snop;
	(pc) =	sbr.ind lr, $3  }
0x3a: {  	_ = 	snop  }
0x3b: {  	_ = 	snop  }
0x3c: {  	p2 =	seq.s32 s10, $0x1;
	s10 =	sld [smem:$0x3FAE]  }
0x3d: {  	_ =	shalt  }
0x3e: {  	_ =	shalt  }
0x3f: {  	_ =	shalt  }
0x40: {  	_ =	shalt  }
0x41: {  	_ =	shalt  }
0x42: {  	_ =	shalt  }
0x43: {  	_ =	shalt  }
0x44: {  	_ =	shalt  }
0x45: {  	_ =	shalt  }
0x46: {  	_ =	shalt  }
0x47: {  	_ =	shalt  }
0x48: {  	_ =	shalt  }
0x49: {  	_ =	shalt  }
0x4a: {  	_ =	shalt  }
0x4b: {  	_ =	shalt  }
0x4c: {  	_ =	shalt  }
0x4d: {  	_ =	shalt  }
0x4e: {  	_ =	shalt  }
0x4f: {  	_ =	shalt  }
0x50: {  	_ =	shalt  }
0x51: {  	_ =	shalt  }
0x52: {  	_ =	shalt  }
0x53: {  	_ =	shalt  }
0x54: {  	_ =	shalt  }
0x55: {  	_ =	shalt  }
0x56: {  	_ =	shalt  }
0x57: {  	_ =	shalt  }
0x58: {  	_ =	shalt  }
0x59: {  	_ =	shalt  }
0x5a: {  	_ =	shalt  }
0x5b: {  	_ =	shalt  }
0x5c: {  	_ =	shalt  }
0x5d: {  	_ =	shalt  }
0x5e: {  	_ =	shalt  }
0x5f: {  	_ =	shalt  }
0x60: {  	_ =	shalt  }
0x61: {  	_ =	shalt  }
0x62: {  	_ =	shalt  }
0x63: {  	_ =	shalt  }
0x64: {  	_ =	shalt  }
0x65: {  	_ =	shalt  }
0x66: {  	_ =	shalt  }
0x67: {  	_ =	shalt  }
0x68: {  	_ =	shalt  }
0x69: {  	_ =	shalt  }
0x6a: {  	_ =	shalt  }
0x6b: {  	_ =	shalt  }
0x6c: {  	_ =	shalt  }
0x6d: {  	_ =	shalt  }
0x6e: {  	_ =	shalt  }
0x6f: {  	_ =	shalt  }
0x70: {  	_ =	shalt  }
0x71: {  	_ =	shalt  }
0x72: {  	_ =	shalt  }
0x73: {  	_ =	shalt  }
0x74: {  	_ =	shalt  }
0x75: {  	_ =	shalt  }
0x76: {  	_ =	shalt  }
0x77: {  	_ =	shalt  }
0x78: {  	_ =	shalt  }
0x79: {  	_ =	shalt  }
0x7a: {  	_ =	shalt  }
0x7b: {  	_ =	shalt  }
0x7c: {  	_ =	shalt  }
0x7d: {  	_ =	shalt  }
0x7e: {  	_ =	shalt  }
0x7f: {  	_ =	shalt  }
0x80: {  	_ =	shalt  }
0x81: {  	_ =	shalt  }
0x82: {  	_ =	shalt  }
0x83: {  	_ =	shalt  }
0x84: {  	_ =	shalt  }
0x85: {  	_ =	shalt  }
0x86: {  	_ =	shalt  }
0x87: {  	_ =	shalt  }
.Lfunc_end0:
.L_simem_size_0:
called_computation.1_lowered:
.L_overlay_start_0:
0x88: {  	s2 =	sld [smem:$0x3FD9]  }
0x89: {  	s3 =	sld [smem:$0x3FFE];
	_ =	sdelay $0x1  }
0x8a: {  	s1 =	srdreg.scid  }
0x8b: {  	s0 =	sand.u32 $0x1, s1  }
0x8c: {  	s17 =	sshll.u32 s0, $0xA;
	s2 =	sadd.s32 s3, s2  }
0x8d: {  	s2 =	sadd.s32 s2, s17  }
0x8e: {  	[smem:$0x3FBA] =	sst s2  }
0x8f: {  	_ = 	snop  }
0x90: {  	s2 =	sld [smem:$0x3FD0];
	(tm) =	ssettm $0x1  }
0x91: {  	s18 =	sld [smem:$0x3FFB];
	_ =	sdelay $0x3  }
0x92: {  	_ =	strace s18  }
0x93: {  	s3 =	sld [smem:$0x3FFC];
	_ =	sdelay $0x3  }
0x94: {  	_ =	strace s3  }
0x95: {  	s3 =	sld [smem:$0x3FFD];
	_ =	sdelay $0x3  }
0x96: {  	_ =	strace s3  }
0x97: {  	_ =	strace $0x8FFFFFFF  }
0x98: {  	s19 =	sld [smem:$0x3FDB];
	_ =	sdelay $0x1  }
0x99: {  	s4 =	simm.s32 $_scs_section_size  }
0x9a: {  	s5 =	simm.s32 $_size__tile_overlayer_lowered;
	s6 =	simm.s32 $_tile_overlayer_lowered  }
0x9b: {  	s22 =	simm.s32 $0x1BFF;
	s21 =	sshll.u32 s6, $0x1;
	s3 =	sadd.s32 s4, s19  }
0x9c: {  	s7 =	simm.s32 $0x0;
	s20 =	sshll.u32 s5, $0x1;
	s5 =	sadd.s32 s21, s3  }
0x9d: {  	[timem:s7], [sflag:s22] =	dma.local [hbm:s5], s20  }
0x9e: {  	_ =	swait.ge [sflag:s22], s20  }
0x9f: {  	s4 =	ssub.s32 $0x0, s20;
	[sflag:s22] =	ssyncset.done $0x0  }
0xa0: {  	[sflag:s22] =	ssyncadd.s32 s4;
	_ =	sdelay $0x1  }
0xa1: {  	s23 =	simm.s32 $0x1B8B  }
0xa2: {  	_ =	swait.ge [sflag:s23], $0x1  }
0xa3: {  	[sflag:s23] =	ssyncset.done $0x0  }
0xa4: {  	s25 =	simm.s32 $0x1B8E;
	s24 =	sld [smem:$0x3FFE];
	[sflag:s23] =	ssyncadd.s32 $0xFFFFFFFF  }
0xa5: {  	s26 =	simm.s32 $execute0_lowered;
	[smem:$0x3FD2] =	sst s25  }
0xa6: {  	s5 =	sshll.u32 s26, $0x1;
	_ =	strace $0x80000049;
	[dreg:$0x1] =	wrdreg $0xFFFFFFFF  }
0xa7: {  	s28 =	simm.s32 $_size_execute0_lowered;
	s3 =	sadd.s32 s3, s5;
	[dreg:$0x0] =	wrdreg $0x0  }
0xa8: {  	s5 =	sshll.u32 s28, $0x1;
	[dreg:$0x2] =	wrdreg s3  }
0xa9: {  	[dreg:$0x3] =	wrdreg s5  }
0xaa: {  	[dreg:$0x4] =	wrdreg $0xC0  }
0xab: {  	_ =	task [dreg:s7], $0x5FFFF  }
0xac: {  	[dreg:$0x1] =	wrdreg $0xFFFFFFFF  }
0xad: {  	[dreg:$0x0] =	wrdreg $0x60  }
0xae: {  	[dreg:$0x2] =	wrdreg s24  }
0xaf: {  	[dreg:$0x3] =	wrdreg s2  }
0xb0: {  	[dreg:$0x4] =	wrdreg $0x154000  }
0xb1: {  	[dreg:$0x5] =	wrdreg $0x9  }
0xb2: {  	_ =	task.clear_ibuf [dreg:s7], $0x6FFFF;
	_ =	strace $0x90000049  }
0xb3: {  	s29 =	simm.s32 $0x9;
	_ =	strace $0x8000004B  }
0xb4: {  	_ =	swait.ge [sflag:s29], $0x1  }
0xb5: {  	[sflag:s29] =	ssyncadd.s32 $0xFFFFFFFF  }
0xb6: {  	_ =	strace $0x9000004B  }
0xb7: {  	_ =	sfence  }
0xb8: {  	s30 =	sld [smem:$0x0];
	_ =	sdelay $0x2  }
0xb9: {  	s31 =	sshll.u32 s1, $0xD;
	s1 =	sshrl.u32 s1, $0x2  }
0xba: {  	s3 =	sand.u32 $0x4000, s31;
	s1 =	sadd.s32 s1, s30  }
0xbb: {  	s0 =	sor.u32 s3, s0;
	s1 =	sshll.u32 s1, $0x11  }
0xbc: {  	s0 =	sor.u32 s1, s0  }
0xbd: {  	s0 =	sadd.s32 $0x8F2B, s0  }
0xbe: {  	[sflag:s0] =	ssyncadd.remote.s32 $0x1  }
0xbf: {  	_ =	sfence.sel $0xFFFF  }
0xc0: {  	[dreg:$0x0] =	wrdreg $0xFFFFFFFF;
	(pc) =	sbr.abs _section_cstart, $3  }
0xc1: {  	[dreg:$0x1] =	wrdreg $0xFFFFFFFF  }
0xc2: {  	_ =	task.clear_ibuf [dreg:s7], $0x2FFFF;
	_ =	strace $0x9FFFFFFF  }
0xc3: {  	(tm) =	ssettm $0x7FFFFFFF  }
tec
execute0_lowered:
.L_overlay_start_1:
0x0: {  	(tag) =	ssettag $0x1  }
0x1: {  	s4 =	rddreg [dreg:$0x0]  }
0x2: {  	s1 =	rddreg [dreg:$0x1]  }
0x3: {  	[dreg:$0x4] =	wrdreg s1  }
0x4: {  	s0 =	srdreg.scid;
	s1 =	rddreg [dreg:$0x2]  }
0x5: {  	s2 =	simm.s32 $0x0;
	s29 =	sand.u32 $0x1, s0;
	s0 =	rddreg [dreg:$0x3]  }
0x6: {  	s12 =	simm.s32 $0x100;
	[smem:$0x7FF] =	sst s2  }
0x7: {  	s13 =	simm.s32 $0x180;
	_ =	strace $0x8000004A;
	[dreg:$0xa] =	wrdreg s12  }
0x8: {  	s14 =	simm.s32 $0x200;
	[dreg:$0xb] =	wrdreg s13  }
0x9: {  	s15 =	simm.s32 $0x280;
	[dreg:$0xc] =	wrdreg s14  }
0xa: {  	s16 =	simm.s32 $0x300;
	[dreg:$0xd] =	wrdreg s15  }
0xb: {  	s17 =	simm.s32 $0x380;
	[dreg:$0xe] =	wrdreg s16  }
0xc: {  	s18 =	simm.s32 $0x400;
	[dreg:$0xf] =	wrdreg s17  }
0xd: {  	s19 =	simm.s32 $0x480;
	[dreg:$0x10] =	wrdreg s18  }
0xe: {  	s20 =	simm.s32 $0x500;
	[dreg:$0x11] =	wrdreg s19  }
0xf: {  	s21 =	simm.s32 $0x580;
	[dreg:$0x12] =	wrdreg s20  }
0x10: {  	s22 =	simm.s32 $0x600;
	[dreg:$0x13] =	wrdreg s21  }
0x11: {  	s23 =	simm.s32 $0x680;
	[dreg:$0x14] =	wrdreg s22  }
0x12: {  	s24 =	simm.s32 $0x700;
	[dreg:$0x15] =	wrdreg s23  }
0x13: {  	s25 =	simm.s32 $0x780;
	[dreg:$0x16] =	wrdreg s24  }
0x14: {  	s26 =	simm.s32 $0x800;
	[dreg:$0x17] =	wrdreg s25  }
0x15: {  	s30 =	simm.s32 $0x880;
	[dreg:$0x18] =	wrdreg s26  }
0x16: {  	s31 =	simm.s32 $0x900;
	[dreg:$0x19] =	wrdreg s30  }
0x17: {  	s28 =	stileid.u32;
	s8 =	simm.s32 $0xB00;
	[dreg:$0x1a] =	wrdreg s31  }
0x18: {  	s9 =	simm.s32 $0xB80;
	s10 =	sshll.u32 s28, $0x1;
	[dreg:$0x1e] =	wrdreg s8  }
0x19: {  	s6 =	sor.u32 s29, s10;
	[dreg:$0x1f] =	wrdreg s9;
	s10 =	simm.s32 $0xC00  }
0x1a: {  	s12 =	simm.s32 $0xD00;
	[smem:$0x7ED] =	sst s10  }
0x1b: {  	s13 =	simm.s32 $0xD80;
	[smem:$0x7EF] =	sst s12  }
0x1c: {  	s14 =	simm.s32 $0xE00;
	[smem:$0x7F0] =	sst s13  }
0x1d: {  	s15 =	simm.s32 $0xE80;
	[smem:$0x7F1] =	sst s14  }
0x1e: {  	s16 =	simm.s32 $0xF00;
	[smem:$0x7F2] =	sst s15  }
0x1f: {  	s17 =	simm.s32 $0xF80;
	[smem:$0x7F3] =	sst s16  }
0x20: {  	s18 =	simm.s32 $0x1000;
	[smem:$0x7F4] =	sst s17  }
0x21: {  	s19 =	simm.s32 $0x1080;
	[smem:$0x7F5] =	sst s18  }
0x22: {  	s20 =	simm.s32 $0x1100;
	[smem:$0x7F6] =	sst s19  }
0x23: {  	s21 =	simm.s32 $0x1180;
	[smem:$0x7F7] =	sst s20  }
0x24: {  	s3 =	smul.u32 $0x4E20, s28;
	s22 =	simm.s32 $0x1200;
	[smem:$0x7F8] =	sst s21  }
0x25: {  	s5 =	smul.u32 $0x4E200, s29;
	s23 =	simm.s32 $0x1280;
	[smem:$0x7F9] =	sst s22  }
0x26: {  	s24 =	simm.s32 $0x1300;
	s7 =	smul.u32 $0x280, s6;
	[smem:$0x7FA] =	sst s23  }
0x27: {  	s25 =	simm.s32 $0x1380;
	s6 =	smul.u32 $0x5000, s6;
	[smem:$0x7FB] =	sst s24  }
0x28: {  	[smem:$0x7FC] =	sst s25;
	s5 =	sadd.s32 s3, s5;
	s3 =	sadd.s32 s3, s1  }
0x29: {  	s7 =	sadd.s32 s7, s4;
	s5 =	sshrl.u32 s5, $0x3;
	s3 =	sshrl.u32 s3, $0x3  }
0x2a: {  	s5 =	sadd.s32 s5, s4;
	s7 =	sadd.s32 $0x43000, s7;
	[smem:$0x7FD] =	sst s3  }
0x2b: {  	s4 =	sadd.s32 s6, s4;
	s6 =	simm.s32 $0xA00;
	[dreg:$0x5] =	wrdreg s7  }
0x2c: {  	[dreg:$0x1c] =	wrdreg s6  }
0x2d: {  	s5 =	sadd.s32 $0x2A600, s5;
	s6 =	rddreg [dreg:$0x4]  }
0x2e: {  	s11 =	sadd.s32 $0x48000, s4;
	[dreg:$0x6] =	wrdreg s5  }
0x2f: {  	s4 =	sadd.s32 $0x4A800, s4;
	[dreg:$0x7] =	wrdreg s11  }
0x30: {  	p0 =	sne.s32 s28, $0x0;
	s7 =	simm.s32 $0xA80;
	[dreg:$0x8] =	wrdreg s4  }
0x31: {  	s4 =	sshrl.u32 @!p0 s1, $0x3;
	[dreg:$0x1d] =	wrdreg s7  }
0x32: {  	s5 =	simm.s32 $0x980;
	[dreg:$0x9] =	wrdreg s4  }
0x33: {  	s11 =	simm.s32 $0xC80;
	[dreg:$0x1b] =	wrdreg s5  }
0x34: {  	[smem:$0x7EE] =	sst s11  }
0x35: {  	s3 =	simm.s32 @!p0 $0x1C01;
	s4 =	simm.s32 @!p0 $0x1;
	s5 =	rddreg [dreg:$0x9]  }
0x36: {  	[spmem:s5], [sflag:s3] =	dma.local @!p0 [hbm:s6], $0x9C40  }
0x37: {  	_ =	swait.ge @!p0 [sflag:s4], $0x9C40  }
0x38: {  	[sflag:s4] =	ssyncset.done @!p0 $0x0  }
0x39: {  	[sflag:s4] =	ssyncadd.s32 @!p0 $0xFFFF63C0  }
0x3a: {  	[bflag:$0x0] =	sbarrier.arrive $0xFFFF  }
0x3b: {  	s5 =	simm.s32 $0x2;
	s26 =	rddreg [dreg:$0x5]  }
0x3c: {  	[tilespmem:s2], [sflag:$0x2] =	stream.linear.gather [hbm4b:s26+s2], $0x1400, $0x38;
	[tilespmem:$0x1A220] =	vst v63  }
0x3d: {  	_ =	swait.ge [sflag:s5], $0x1400  }
0x3e: {  	[sflag:s5] =	ssyncset.done $0x0  }
0x3f: {  	s6 =	simm.s32 $0x1400;
	s30 =	rddreg [dreg:$0x7];
	[sflag:s5] =	ssyncadd.s32 $0xFFFFEC00  }
0x40: {  	[tilespmem:s6], [sflag:$0x2] =	stream.linear.gather [hbm4b:s30+s2], $0x14000, $0x38;
	[tilespmem:$0x1A220] =	vst v63  }
0x41: {  	_ =	swait.ge [sflag:s5], $0x14000  }
0x42: {  	[sflag:s5] =	ssyncset.done $0x0  }
0x43: {  	s7 =	simm.s32 $0x80;
	[sflag:s5] =	ssyncadd.s32 $0xFFFEC000  }
0x44: {  	[spmem:s1] =	stream.indirect.scatter.add.f32 [tilespmem:s6], [sflag:$0x2], $0x20, s2, s7, $0xb8;
	[tilespmem:$0x1A220] =	vst v63  }
0x45: {  	_ =	swait.ge [sflag:s5], $0x1000  }
0x46: {  	[sflag:s5] =	ssyncset.done $0x0  }
0x47: {  	s8 =	simm.s32 $0x2400;
	[sflag:s5] =	ssyncadd.s32 $0xFFFFF000  }
0x48: {  	[spmem:s1] =	stream.indirect.scatter.add.f32 [tilespmem:s8], [sflag:$0x2], $0x20, s7, s7, $0xb8;
	[tilespmem:$0x1A220] =	vst v63  }
0x49: {  	_ =	swait.ge [sflag:s5], $0x1000  }
0x4a: {  	[sflag:s5] =	ssyncset.done $0x0  }
0x4b: {  	s9 =	simm.s32 $0x3400;
	s10 =	rddreg [dreg:$0xa];
	[sflag:s5] =	ssyncadd.s32 $0xFFFFF000  }
0x4c: {  	[spmem:s1] =	stream.indirect.scatter.add.f32 [tilespmem:s9], [sflag:$0x2], $0x20, s10, s7, $0xb8;
	[tilespmem:$0x1A220] =	vst v63  }
0x4d: {  	_ =	swait.ge [sflag:s5], $0x1000  }
0x4e: {  	[sflag:s5] =	ssyncset.done $0x0  }
0x4f: {  	s10 =	simm.s32 $0x4400;
	s11 =	rddreg [dreg:$0xb];
	[sflag:s5] =	ssyncadd.s32 $0xFFFFF000  }
0x50: {  	[spmem:s1] =	stream.indirect.scatter.add.f32 [tilespmem:s10], [sflag:$0x2], $0x20, s11, s7, $0xb8;
	[tilespmem:$0x1A220] =	vst v63  }
0x51: {  	_ =	swait.ge [sflag:s5], $0x1000  }
0x52: {  	[sflag:s5] =	ssyncset.done $0x0  }
0x53: {  	s11 =	simm.s32 $0x5400;
	s12 =	rddreg [dreg:$0xc];
	[sflag:s5] =	ssyncadd.s32 $0xFFFFF000  }
0x54: {  	[spmem:s1] =	stream.indirect.scatter.add.f32 [tilespmem:s11], [sflag:$0x2], $0x20, s12, s7, $0xb8;
	[tilespmem:$0x1A220] =	vst v63  }
0x55: {  	_ =	swait.ge [sflag:s5], $0x1000  }
0x56: {  	[sflag:s5] =	ssyncset.done $0x0  }
0x57: {  	s12 =	simm.s32 $0x6400;
	s13 =	rddreg [dreg:$0xd];
	[sflag:s5] =	ssyncadd.s32 $0xFFFFF000  }
0x58: {  	[spmem:s1] =	stream.indirect.scatter.add.f32 [tilespmem:s12], [sflag:$0x2], $0x20, s13, s7, $0xb8;
	[tilespmem:$0x1A220] =	vst v63  }
0x59: {  	_ =	swait.ge [sflag:s5], $0x1000  }
0x5a: {  	[sflag:s5] =	ssyncset.done $0x0  }
0x5b: {  	s13 =	simm.s32 $0x7400;
	s14 =	rddreg [dreg:$0xe];
	[sflag:s5] =	ssyncadd.s32 $0xFFFFF000  }
0x5c: {  	[spmem:s1] =	stream.indirect.scatter.add.f32 [tilespmem:s13], [sflag:$0x2], $0x20, s14, s7, $0xb8;
	[tilespmem:$0x1A220] =	vst v63  }
0x5d: {  	_ =	swait.ge [sflag:s5], $0x1000  }
0x5e: {  	[sflag:s5] =	ssyncset.done $0x0  }
0x5f: {  	s14 =	simm.s32 $0x8400;
	s15 =	rddreg [dreg:$0xf];
	[sflag:s5] =	ssyncadd.s32 $0xFFFFF000  }
0x60: {  	[spmem:s1] =	stream.indirect.scatter.add.f32 [tilespmem:s14], [sflag:$0x2], $0x20, s15, s7, $0xb8;
	[tilespmem:$0x1A220] =	vst v63  }
0x61: {  	_ =	swait.ge [sflag:s5], $0x1000  }
0x62: {  	[sflag:s5] =	ssyncset.done $0x0  }
0x63: {  	s15 =	simm.s32 $0x9400;
	s16 =	rddreg [dreg:$0x10];
	[sflag:s5] =	ssyncadd.s32 $0xFFFFF000  }
0x64: {  	[spmem:s1] =	stream.indirect.scatter.add.f32 [tilespmem:s15], [sflag:$0x2], $0x20, s16, s7, $0xb8;
	[tilespmem:$0x1A220] =	vst v63  }
0x65: {  	_ =	swait.ge [sflag:s5], $0x1000  }
0x66: {  	[sflag:s5] =	ssyncset.done $0x0  }
0x67: {  	s16 =	simm.s32 $0xA400;
	s17 =	rddreg [dreg:$0x11];
	[sflag:s5] =	ssyncadd.s32 $0xFFFFF000  }
0x68: {  	[spmem:s1] =	stream.indirect.scatter.add.f32 [tilespmem:s16], [sflag:$0x2], $0x20, s17, s7, $0xb8;
	[tilespmem:$0x1A220] =	vst v63  }
0x69: {  	_ =	swait.ge [sflag:s5], $0x1000  }
0x6a: {  	[sflag:s5] =	ssyncset.done $0x0  }
0x6b: {  	s17 =	simm.s32 $0xB400;
	s18 =	rddreg [dreg:$0x12];
	[sflag:s5] =	ssyncadd.s32 $0xFFFFF000  }
0x6c: {  	[spmem:s1] =	stream.indirect.scatter.add.f32 [tilespmem:s17], [sflag:$0x2], $0x20, s18, s7, $0xb8;
	[tilespmem:$0x1A220] =	vst v63  }
0x6d: {  	_ =	swait.ge [sflag:s5], $0x1000  }
0x6e: {  	[sflag:s5] =	ssyncset.done $0x0  }
0x6f: {  	s18 =	simm.s32 $0xC400;
	s19 =	rddreg [dreg:$0x13];
	[sflag:s5] =	ssyncadd.s32 $0xFFFFF000  }
0x70: {  	[spmem:s1] =	stream.indirect.scatter.add.f32 [tilespmem:s18], [sflag:$0x2], $0x20, s19, s7, $0xb8;
	[tilespmem:$0x1A220] =	vst v63  }
0x71: {  	_ =	swait.ge [sflag:s5], $0x1000  }
0x72: {  	[sflag:s5] =	ssyncset.done $0x0  }
0x73: {  	s19 =	simm.s32 $0xD400;
	s20 =	rddreg [dreg:$0x14];
	[sflag:s5] =	ssyncadd.s32 $0xFFFFF000  }
0x74: {  	[spmem:s1] =	stream.indirect.scatter.add.f32 [tilespmem:s19], [sflag:$0x2], $0x20, s20, s7, $0xb8;
	[tilespmem:$0x1A220] =	vst v63  }
0x75: {  	_ =	swait.ge [sflag:s5], $0x1000  }
0x76: {  	[sflag:s5] =	ssyncset.done $0x0  }
0x77: {  	s20 =	simm.s32 $0xE400;
	s21 =	rddreg [dreg:$0x15];
	[sflag:s5] =	ssyncadd.s32 $0xFFFFF000  }
0x78: {  	[spmem:s1] =	stream.indirect.scatter.add.f32 [tilespmem:s20], [sflag:$0x2], $0x20, s21, s7, $0xb8;
	[tilespmem:$0x1A220] =	vst v63  }
0x79: {  	_ =	swait.ge [sflag:s5], $0x1000  }
0x7a: {  	[sflag:s5] =	ssyncset.done $0x0  }
0x7b: {  	s21 =	simm.s32 $0xF400;
	s22 =	rddreg [dreg:$0x16];
	[sflag:s5] =	ssyncadd.s32 $0xFFFFF000  }
0x7c: {  	[spmem:s1] =	stream.indirect.scatter.add.f32 [tilespmem:s21], [sflag:$0x2], $0x20, s22, s7, $0xb8;
	[tilespmem:$0x1A220] =	vst v63  }
0x7d: {  	_ =	swait.ge [sflag:s5], $0x1000  }
0x7e: {  	[sflag:s5] =	ssyncset.done $0x0  }
0x7f: {  	s22 =	simm.s32 $0x10400;
	s23 =	rddreg [dreg:$0x17];
	[sflag:s5] =	ssyncadd.s32 $0xFFFFF000  }
0x80: {  	[spmem:s1] =	stream.indirect.scatter.add.f32 [tilespmem:s22], [sflag:$0x2], $0x20, s23, s7, $0xb8;
	[tilespmem:$0x1A220] =	vst v63  }
0x81: {  	_ =	swait.ge [sflag:s5], $0x1000  }
0x82: {  	[sflag:s5] =	ssyncset.done $0x0  }
0x83: {  	s23 =	simm.s32 $0x11400;
	s24 =	rddreg [dreg:$0x18];
	[sflag:s5] =	ssyncadd.s32 $0xFFFFF000  }
0x84: {  	[spmem:s1] =	stream.indirect.scatter.add.f32 [tilespmem:s23], [sflag:$0x2], $0x20, s24, s7, $0xb8;
	[tilespmem:$0x1A220] =	vst v63  }
0x85: {  	_ =	swait.ge [sflag:s5], $0x1000  }
0x86: {  	[sflag:s5] =	ssyncset.done $0x0  }
0x87: {  	s24 =	simm.s32 $0x12400;
	s25 =	rddreg [dreg:$0x19];
	[sflag:s5] =	ssyncadd.s32 $0xFFFFF000  }
0x88: {  	[spmem:s1] =	stream.indirect.scatter.add.f32 [tilespmem:s24], [sflag:$0x2], $0x20, s25, s7, $0xb8;
	[tilespmem:$0x1A220] =	vst v63  }
0x89: {  	_ =	swait.ge [sflag:s5], $0x1000  }
0x8a: {  	[sflag:s5] =	ssyncset.done $0x0  }
0x8b: {  	s25 =	simm.s32 $0x13400;
	s26 =	rddreg [dreg:$0x1a];
	[sflag:s5] =	ssyncadd.s32 $0xFFFFF000  }
0x8c: {  	[spmem:s1] =	stream.indirect.scatter.add.f32 [tilespmem:s25], [sflag:$0x2], $0x20, s26, s7, $0xb8;
	[tilespmem:$0x1A220] =	vst v63  }
0x8d: {  	_ =	swait.ge [sflag:s5], $0x1000  }
0x8e: {  	[sflag:s5] =	ssyncset.done $0x0  }
0x8f: {  	s26 =	simm.s32 $0x14400;
	s30 =	rddreg [dreg:$0x1b];
	[sflag:s5] =	ssyncadd.s32 $0xFFFFF000  }
0x90: {  	[spmem:s1] =	stream.indirect.scatter.add.f32 [tilespmem:s26], [sflag:$0x2], $0x20, s30, s7, $0xb8;
	[tilespmem:$0x1A220] =	vst v63  }
0x91: {  	_ =	swait.ge [sflag:s5], $0x1000  }
0x92: {  	[sflag:s5] =	ssyncset.done $0x0  }
0x93: {  	s31 =	rddreg [dreg:$0x8];
	[sflag:s5] =	ssyncadd.s32 $0xFFFFF000  }
0x94: {  	[tilespmem:s6], [sflag:$0x2] =	stream.linear.gather [hbm4b:s31+s2], $0x14000, $0x38;
	[tilespmem:$0x1A220] =	vst v63  }
0x95: {  	_ =	swait.ge [sflag:s5], $0x14000  }
0x96: {  	[sflag:s5] =	ssyncset.done $0x0  }
0x97: {  	s31 =	rddreg [dreg:$0x1c];
	[sflag:s5] =	ssyncadd.s32 $0xFFFEC000  }
0x98: {  	[spmem:s1] =	stream.indirect.scatter.add.f32 [tilespmem:s6], [sflag:$0x2], $0x20, s31, s7, $0xb8;
	[tilespmem:$0x1A220] =	vst v63  }
0x99: {  	_ =	swait.ge [sflag:s5], $0x1000  }
0x9a: {  	[sflag:s5] =	ssyncset.done $0x0  }
0x9b: {  	s31 =	rddreg [dreg:$0x1d];
	[sflag:s5] =	ssyncadd.s32 $0xFFFFF000  }
0x9c: {  	[spmem:s1] =	stream.indirect.scatter.add.f32 [tilespmem:s8], [sflag:$0x2], $0x20, s31, s7, $0xb8;
	[tilespmem:$0x1A220] =	vst v63  }
0x9d: {  	_ =	swait.ge [sflag:s5], $0x1000  }
0x9e: {  	[sflag:s5] =	ssyncset.done $0x0  }
0x9f: {  	s31 =	rddreg [dreg:$0x1e];
	[sflag:s5] =	ssyncadd.s32 $0xFFFFF000  }
0xa0: {  	[spmem:s1] =	stream.indirect.scatter.add.f32 [tilespmem:s9], [sflag:$0x2], $0x20, s31, s7, $0xb8;
	[tilespmem:$0x1A220] =	vst v63  }
0xa1: {  	_ =	swait.ge [sflag:s5], $0x1000  }
0xa2: {  	[sflag:s5] =	ssyncset.done $0x0  }
0xa3: {  	s31 =	rddreg [dreg:$0x1f];
	[sflag:s5] =	ssyncadd.s32 $0xFFFFF000  }
0xa4: {  	[spmem:s1] =	stream.indirect.scatter.add.f32 [tilespmem:s10], [sflag:$0x2], $0x20, s31, s7, $0xb8;
	[tilespmem:$0x1A220] =	vst v63  }
0xa5: {  	_ =	swait.ge [sflag:s5], $0x1000  }
0xa6: {  	s31 =	sld [smem:$0x7ED]  }
0xa7: {  	[sflag:s5] =	ssyncset.done $0x0  }
0xa8: {  	[sflag:s5] =	ssyncadd.s32 $0xFFFFF000  }
0xa9: {  	[spmem:s1] =	stream.indirect.scatter.add.f32 [tilespmem:s11], [sflag:$0x2], $0x20, s31, s7, $0xb8;
	[tilespmem:$0x1A220] =	vst v63  }
0xaa: {  	_ =	swait.ge [sflag:s5], $0x1000  }
0xab: {  	s31 =	sld [smem:$0x7EE]  }
0xac: {  	[sflag:s5] =	ssyncset.done $0x0  }
0xad: {  	[sflag:s5] =	ssyncadd.s32 $0xFFFFF000  }
0xae: {  	[spmem:s1] =	stream.indirect.scatter.add.f32 [tilespmem:s12], [sflag:$0x2], $0x20, s31, s7, $0xb8;
	[tilespmem:$0x1A220] =	vst v63  }
0xaf: {  	_ =	swait.ge [sflag:s5], $0x1000  }
0xb0: {  	s31 =	sld [smem:$0x7EF]  }
0xb1: {  	[sflag:s5] =	ssyncset.done $0x0  }
0xb2: {  	[sflag:s5] =	ssyncadd.s32 $0xFFFFF000  }
0xb3: {  	[spmem:s1] =	stream.indirect.scatter.add.f32 [tilespmem:s13], [sflag:$0x2], $0x20, s31, s7, $0xb8;
	[tilespmem:$0x1A220] =	vst v63  }
0xb4: {  	_ =	swait.ge [sflag:s5], $0x1000  }
0xb5: {  	s31 =	sld [smem:$0x7F0]  }
0xb6: {  	[sflag:s5] =	ssyncset.done $0x0  }
0xb7: {  	[sflag:s5] =	ssyncadd.s32 $0xFFFFF000  }
0xb8: {  	[spmem:s1] =	stream.indirect.scatter.add.f32 [tilespmem:s14], [sflag:$0x2], $0x20, s31, s7, $0xb8;
	[tilespmem:$0x1A220] =	vst v63  }
0xb9: {  	_ =	swait.ge [sflag:s5], $0x1000  }
0xba: {  	s31 =	sld [smem:$0x7F1]  }
0xbb: {  	[sflag:s5] =	ssyncset.done $0x0  }
0xbc: {  	[sflag:s5] =	ssyncadd.s32 $0xFFFFF000  }
0xbd: {  	[spmem:s1] =	stream.indirect.scatter.add.f32 [tilespmem:s15], [sflag:$0x2], $0x20, s31, s7, $0xb8;
	[tilespmem:$0x1A220] =	vst v63  }
0xbe: {  	_ =	swait.ge [sflag:s5], $0x1000  }
0xbf: {  	s31 =	sld [smem:$0x7F2]  }
0xc0: {  	[sflag:s5] =	ssyncset.done $0x0  }
0xc1: {  	[sflag:s5] =	ssyncadd.s32 $0xFFFFF000  }
0xc2: {  	[spmem:s1] =	stream.indirect.scatter.add.f32 [tilespmem:s16], [sflag:$0x2], $0x20, s31, s7, $0xb8;
	[tilespmem:$0x1A220] =	vst v63  }
0xc3: {  	_ =	swait.ge [sflag:s5], $0x1000  }
0xc4: {  	s31 =	sld [smem:$0x7F3]  }
0xc5: {  	[sflag:s5] =	ssyncset.done $0x0  }
0xc6: {  	[sflag:s5] =	ssyncadd.s32 $0xFFFFF000  }
0xc7: {  	[spmem:s1] =	stream.indirect.scatter.add.f32 [tilespmem:s17], [sflag:$0x2], $0x20, s31, s7, $0xb8;
	[tilespmem:$0x1A220] =	vst v63  }
0xc8: {  	_ =	swait.ge [sflag:s5], $0x1000  }
0xc9: {  	s31 =	sld [smem:$0x7F4]  }
0xca: {  	[sflag:s5] =	ssyncset.done $0x0  }
0xcb: {  	[sflag:s5] =	ssyncadd.s32 $0xFFFFF000  }
0xcc: {  	[spmem:s1] =	stream.indirect.scatter.add.f32 [tilespmem:s18], [sflag:$0x2], $0x20, s31, s7, $0xb8;
	[tilespmem:$0x1A220] =	vst v63  }
0xcd: {  	_ =	swait.ge [sflag:s5], $0x1000  }
0xce: {  	s31 =	sld [smem:$0x7F5]  }
0xcf: {  	[sflag:s5] =	ssyncset.done $0x0  }
0xd0: {  	[sflag:s5] =	ssyncadd.s32 $0xFFFFF000  }
0xd1: {  	[spmem:s1] =	stream.indirect.scatter.add.f32 [tilespmem:s19], [sflag:$0x2], $0x20, s31, s7, $0xb8;
	[tilespmem:$0x1A220] =	vst v63  }
0xd2: {  	_ =	swait.ge [sflag:s5], $0x1000  }
0xd3: {  	s31 =	sld [smem:$0x7F6]  }
0xd4: {  	[sflag:s5] =	ssyncset.done $0x0  }
0xd5: {  	[sflag:s5] =	ssyncadd.s32 $0xFFFFF000  }
0xd6: {  	[spmem:s1] =	stream.indirect.scatter.add.f32 [tilespmem:s20], [sflag:$0x2], $0x20, s31, s7, $0xb8;
	[tilespmem:$0x1A220] =	vst v63  }
0xd7: {  	_ =	swait.ge [sflag:s5], $0x1000  }
0xd8: {  	s31 =	sld [smem:$0x7F7]  }
0xd9: {  	[sflag:s5] =	ssyncset.done $0x0  }
0xda: {  	[sflag:s5] =	ssyncadd.s32 $0xFFFFF000  }
0xdb: {  	[spmem:s1] =	stream.indirect.scatter.add.f32 [tilespmem:s21], [sflag:$0x2], $0x20, s31, s7, $0xb8;
	[tilespmem:$0x1A220] =	vst v63  }
0xdc: {  	_ =	swait.ge [sflag:s5], $0x1000  }
0xdd: {  	s31 =	sld [smem:$0x7F8]  }
0xde: {  	[sflag:s5] =	ssyncset.done $0x0  }
0xdf: {  	[sflag:s5] =	ssyncadd.s32 $0xFFFFF000  }
0xe0: {  	[spmem:s1] =	stream.indirect.scatter.add.f32 [tilespmem:s22], [sflag:$0x2], $0x20, s31, s7, $0xb8;
	[tilespmem:$0x1A220] =	vst v63  }
0xe1: {  	_ =	swait.ge [sflag:s5], $0x1000  }
0xe2: {  	s31 =	sld [smem:$0x7F9]  }
0xe3: {  	[sflag:s5] =	ssyncset.done $0x0  }
0xe4: {  	[sflag:s5] =	ssyncadd.s32 $0xFFFFF000  }
0xe5: {  	[spmem:s1] =	stream.indirect.scatter.add.f32 [tilespmem:s23], [sflag:$0x2], $0x20, s31, s7, $0xb8;
	[tilespmem:$0x1A220] =	vst v63  }
0xe6: {  	_ =	swait.ge [sflag:s5], $0x1000  }
0xe7: {  	s31 =	sld [smem:$0x7FA]  }
0xe8: {  	[sflag:s5] =	ssyncset.done $0x0  }
0xe9: {  	[sflag:s5] =	ssyncadd.s32 $0xFFFFF000  }
0xea: {  	[spmem:s1] =	stream.indirect.scatter.add.f32 [tilespmem:s24], [sflag:$0x2], $0x20, s31, s7, $0xb8;
	[tilespmem:$0x1A220] =	vst v63  }
0xeb: {  	_ =	swait.ge [sflag:s5], $0x1000  }
0xec: {  	s31 =	sld [smem:$0x7FB]  }
0xed: {  	[sflag:s5] =	ssyncset.done $0x0  }
0xee: {  	[sflag:s5] =	ssyncadd.s32 $0xFFFFF000  }
0xef: {  	[spmem:s1] =	stream.indirect.scatter.add.f32 [tilespmem:s25], [sflag:$0x2], $0x20, s31, s7, $0xb8;
	[tilespmem:$0x1A220] =	vst v63  }
0xf0: {  	_ =	swait.ge [sflag:s5], $0x1000  }
0xf1: {  	s31 =	sld [smem:$0x7FC]  }
0xf2: {  	[sflag:s5] =	ssyncset.done $0x0  }
0xf3: {  	[sflag:s5] =	ssyncadd.s32 $0xFFFFF000  }
0xf4: {  	[spmem:s1] =	stream.indirect.scatter.add.f32 [tilespmem:s26], [sflag:$0x2], $0x20, s31, s7, $0xb8;
	[tilespmem:$0x1A220] =	vst v63  }
0xf5: {  	_ =	swait.ge [sflag:s5], $0x1000  }
0xf6: {  	[sflag:s5] =	ssyncset.done $0x0  }
0xf7: {  	[sflag:s5] =	ssyncadd.s32 $0xFFFFF000  }
0xf8: {  	[bflag:$0x0] =	sbarrier.arrive $0xFFFF  }
0xf9: {  	s31 =	sld [smem:$0x7FD]  }
0xfa: {  	s28 =	sshll.u32 s28, $0x6  }
0xfb: {  	s28 =	sor.u32 $0x1C02, s28;
	s29 =	ssub.s32 $0x2, s29;
	s30 =	rddreg [dreg:$0x6]  }
0xfc: {  	[hbm:s30], [sflag:s28] =	dma.local [spmem:s31], $0x9C4  }
0xfd: {  	s31 =	sshrl.u32 s29, $0x1  }
0xfe: {  	s29 =	ssub.s32 s29, s31  }
0xff: {  	s29 =	smax.u32 s29, $0x1  }
0x100: {  	s29 =	sadd.s32 $0xFFFFFFFF, s29  }
0x101: {  	p1 =	sne.s32 s29, $0x0  }
.Ltmp0:
0x102: {  	_ = 	snop;
	(pc) =	sbr.rel @!p1 .LBB2_2-.Ltmp0, $2  }
0x103: {  	_ =	sdelay $0x2  }
0x104: {  	_ =	swait.ge [sflag:s5], $0x9C4  }
.LBB2_1:
0x105: {  	s30 =	rddreg [dreg:$0x9];
	[sflag:s5] =	ssyncset.done $0x0  }
0x106: {  	s31 =	rddreg [dreg:$0x4];
	[sflag:s5] =	ssyncadd.s32 $0xFFFFF63C  }
0x107: {  	[spmem:s30], [sflag:s3] =	dma.local @!p0 [hbm:s31], $0x9C40  }
0x108: {  	_ =	swait.ge @!p0 [sflag:s4], $0x9C40  }
0x109: {  	[sflag:s4] =	ssyncset.done @!p0 $0x0  }
0x10a: {  	[sflag:s4] =	ssyncadd.s32 @!p0 $0xFFFF63C0  }
0x10b: {  	[bflag:$0x0] =	sbarrier.arrive $0xFFFF  }
0x10c: {  	s31 =	rddreg [dreg:$0x5]  }
0x10d: {  	[tilespmem:s2], [sflag:$0x2] =	stream.linear.gather [hbm4b:s31+s2], $0x1400, $0x38;
	[tilespmem:$0x1A220] =	vst v63  }
0x10e: {  	_ =	swait.ge [sflag:s5], $0x1400  }
0x10f: {  	[sflag:s5] =	ssyncset.done $0x0  }
0x110: {  	s31 =	rddreg [dreg:$0x7];
	[sflag:s5] =	ssyncadd.s32 $0xFFFFEC00  }
0x111: {  	[tilespmem:s6], [sflag:$0x2] =	stream.linear.gather [hbm4b:s31+s2], $0x14000, $0x38;
	[tilespmem:$0x1A220] =	vst v63  }
0x112: {  	_ =	swait.ge [sflag:s5], $0x14000  }
0x113: {  	[sflag:s5] =	ssyncset.done $0x0  }
0x114: {  	[sflag:s5] =	ssyncadd.s32 $0xFFFEC000  }
0x115: {  	[spmem:s1] =	stream.indirect.scatter.add.f32 [tilespmem:s6], [sflag:$0x2], $0x20, s2, s7, $0xb8;
	[tilespmem:$0x1A220] =	vst v63  }
0x116: {  	_ =	swait.ge [sflag:s5], $0x1000  }
0x117: {  	[sflag:s5] =	ssyncset.done $0x0  }
0x118: {  	[sflag:s5] =	ssyncadd.s32 $0xFFFFF000  }
0x119: {  	[spmem:s1] =	stream.indirect.scatter.add.f32 [tilespmem:s8], [sflag:$0x2], $0x20, s7, s7, $0xb8;
	[tilespmem:$0x1A220] =	vst v63  }
0x11a: {  	_ =	swait.ge [sflag:s5], $0x1000  }
0x11b: {  	[sflag:s5] =	ssyncset.done $0x0  }
0x11c: {  	s31 =	rddreg [dreg:$0xa];
	[sflag:s5] =	ssyncadd.s32 $0xFFFFF000  }
0x11d: {  	[spmem:s1] =	stream.indirect.scatter.add.f32 [tilespmem:s9], [sflag:$0x2], $0x20, s31, s7, $0xb8;
	[tilespmem:$0x1A220] =	vst v63  }
0x11e: {  	_ =	swait.ge [sflag:s5], $0x1000  }
0x11f: {  	[sflag:s5] =	ssyncset.done $0x0  }
0x120: {  	s31 =	rddreg [dreg:$0xb];
	[sflag:s5] =	ssyncadd.s32 $0xFFFFF000  }
0x121: {  	[spmem:s1] =	stream.indirect.scatter.add.f32 [tilespmem:s10], [sflag:$0x2], $0x20, s31, s7, $0xb8;
	[tilespmem:$0x1A220] =	vst v63  }
0x122: {  	_ =	swait.ge [sflag:s5], $0x1000  }
0x123: {  	[sflag:s5] =	ssyncset.done $0x0  }
0x124: {  	s31 =	rddreg [dreg:$0xc];
	[sflag:s5] =	ssyncadd.s32 $0xFFFFF000  }
0x125: {  	[spmem:s1] =	stream.indirect.scatter.add.f32 [tilespmem:s11], [sflag:$0x2], $0x20, s31, s7, $0xb8;
	[tilespmem:$0x1A220] =	vst v63  }
0x126: {  	_ =	swait.ge [sflag:s5], $0x1000  }
0x127: {  	[sflag:s5] =	ssyncset.done $0x0  }
0x128: {  	s31 =	rddreg [dreg:$0xd];
	[sflag:s5] =	ssyncadd.s32 $0xFFFFF000  }
0x129: {  	[spmem:s1] =	stream.indirect.scatter.add.f32 [tilespmem:s12], [sflag:$0x2], $0x20, s31, s7, $0xb8;
	[tilespmem:$0x1A220] =	vst v63  }
0x12a: {  	_ =	swait.ge [sflag:s5], $0x1000  }
0x12b: {  	[sflag:s5] =	ssyncset.done $0x0  }
0x12c: {  	s31 =	rddreg [dreg:$0xe];
	[sflag:s5] =	ssyncadd.s32 $0xFFFFF000  }
0x12d: {  	[spmem:s1] =	stream.indirect.scatter.add.f32 [tilespmem:s13], [sflag:$0x2], $0x20, s31, s7, $0xb8;
	[tilespmem:$0x1A220] =	vst v63  }
0x12e: {  	_ =	swait.ge [sflag:s5], $0x1000  }
0x12f: {  	[sflag:s5] =	ssyncset.done $0x0  }
0x130: {  	s31 =	rddreg [dreg:$0xf];
	[sflag:s5] =	ssyncadd.s32 $0xFFFFF000  }
0x131: {  	[spmem:s1] =	stream.indirect.scatter.add.f32 [tilespmem:s14], [sflag:$0x2], $0x20, s31, s7, $0xb8;
	[tilespmem:$0x1A220] =	vst v63  }
0x132: {  	_ =	swait.ge [sflag:s5], $0x1000  }
0x133: {  	[sflag:s5] =	ssyncset.done $0x0  }
0x134: {  	s31 =	rddreg [dreg:$0x10];
	[sflag:s5] =	ssyncadd.s32 $0xFFFFF000  }
0x135: {  	[spmem:s1] =	stream.indirect.scatter.add.f32 [tilespmem:s15], [sflag:$0x2], $0x20, s31, s7, $0xb8;
	[tilespmem:$0x1A220] =	vst v63  }
0x136: {  	_ =	swait.ge [sflag:s5], $0x1000  }
0x137: {  	[sflag:s5] =	ssyncset.done $0x0  }
0x138: {  	s31 =	rddreg [dreg:$0x11];
	[sflag:s5] =	ssyncadd.s32 $0xFFFFF000  }
0x139: {  	[spmem:s1] =	stream.indirect.scatter.add.f32 [tilespmem:s16], [sflag:$0x2], $0x20, s31, s7, $0xb8;
	[tilespmem:$0x1A220] =	vst v63  }
0x13a: {  	_ =	swait.ge [sflag:s5], $0x1000  }
0x13b: {  	[sflag:s5] =	ssyncset.done $0x0  }
0x13c: {  	s31 =	rddreg [dreg:$0x12];
	[sflag:s5] =	ssyncadd.s32 $0xFFFFF000  }
0x13d: {  	[spmem:s1] =	stream.indirect.scatter.add.f32 [tilespmem:s17], [sflag:$0x2], $0x20, s31, s7, $0xb8;
	[tilespmem:$0x1A220] =	vst v63  }
0x13e: {  	_ =	swait.ge [sflag:s5], $0x1000  }
0x13f: {  	[sflag:s5] =	ssyncset.done $0x0  }
0x140: {  	s31 =	rddreg [dreg:$0x13];
	[sflag:s5] =	ssyncadd.s32 $0xFFFFF000  }
0x141: {  	[spmem:s1] =	stream.indirect.scatter.add.f32 [tilespmem:s18], [sflag:$0x2], $0x20, s31, s7, $0xb8;
	[tilespmem:$0x1A220] =	vst v63  }
0x142: {  	_ =	swait.ge [sflag:s5], $0x1000  }
0x143: {  	[sflag:s5] =	ssyncset.done $0x0  }
0x144: {  	s31 =	rddreg [dreg:$0x14];
	[sflag:s5] =	ssyncadd.s32 $0xFFFFF000  }
0x145: {  	[spmem:s1] =	stream.indirect.scatter.add.f32 [tilespmem:s19], [sflag:$0x2], $0x20, s31, s7, $0xb8;
	[tilespmem:$0x1A220] =	vst v63  }
0x146: {  	_ =	swait.ge [sflag:s5], $0x1000  }
0x147: {  	[sflag:s5] =	ssyncset.done $0x0  }
0x148: {  	s31 =	rddreg [dreg:$0x15];
	[sflag:s5] =	ssyncadd.s32 $0xFFFFF000  }
0x149: {  	[spmem:s1] =	stream.indirect.scatter.add.f32 [tilespmem:s20], [sflag:$0x2], $0x20, s31, s7, $0xb8;
	[tilespmem:$0x1A220] =	vst v63  }
0x14a: {  	_ =	swait.ge [sflag:s5], $0x1000  }
0x14b: {  	[sflag:s5] =	ssyncset.done $0x0  }
0x14c: {  	s31 =	rddreg [dreg:$0x16];
	[sflag:s5] =	ssyncadd.s32 $0xFFFFF000  }
0x14d: {  	[spmem:s1] =	stream.indirect.scatter.add.f32 [tilespmem:s21], [sflag:$0x2], $0x20, s31, s7, $0xb8;
	[tilespmem:$0x1A220] =	vst v63  }
0x14e: {  	_ =	swait.ge [sflag:s5], $0x1000  }
0x14f: {  	[sflag:s5] =	ssyncset.done $0x0  }
0x150: {  	s31 =	rddreg [dreg:$0x17];
	[sflag:s5] =	ssyncadd.s32 $0xFFFFF000  }
0x151: {  	[spmem:s1] =	stream.indirect.scatter.add.f32 [tilespmem:s22], [sflag:$0x2], $0x20, s31, s7, $0xb8;
	[tilespmem:$0x1A220] =	vst v63  }
0x152: {  	_ =	swait.ge [sflag:s5], $0x1000  }
0x153: {  	[sflag:s5] =	ssyncset.done $0x0  }
0x154: {  	s31 =	rddreg [dreg:$0x18];
	[sflag:s5] =	ssyncadd.s32 $0xFFFFF000  }
0x155: {  	[spmem:s1] =	stream.indirect.scatter.add.f32 [tilespmem:s23], [sflag:$0x2], $0x20, s31, s7, $0xb8;
	[tilespmem:$0x1A220] =	vst v63  }
0x156: {  	_ =	swait.ge [sflag:s5], $0x1000  }
0x157: {  	[sflag:s5] =	ssyncset.done $0x0  }
0x158: {  	s31 =	rddreg [dreg:$0x19];
	[sflag:s5] =	ssyncadd.s32 $0xFFFFF000  }
0x159: {  	[spmem:s1] =	stream.indirect.scatter.add.f32 [tilespmem:s24], [sflag:$0x2], $0x20, s31, s7, $0xb8;
	[tilespmem:$0x1A220] =	vst v63  }
0x15a: {  	_ =	swait.ge [sflag:s5], $0x1000  }
0x15b: {  	[sflag:s5] =	ssyncset.done $0x0  }
0x15c: {  	s31 =	rddreg [dreg:$0x1a];
	[sflag:s5] =	ssyncadd.s32 $0xFFFFF000  }
0x15d: {  	[spmem:s1] =	stream.indirect.scatter.add.f32 [tilespmem:s25], [sflag:$0x2], $0x20, s31, s7, $0xb8;
	[tilespmem:$0x1A220] =	vst v63  }
0x15e: {  	_ =	swait.ge [sflag:s5], $0x1000  }
0x15f: {  	[sflag:s5] =	ssyncset.done $0x0  }
0x160: {  	s31 =	rddreg [dreg:$0x1b];
	[sflag:s5] =	ssyncadd.s32 $0xFFFFF000  }
0x161: {  	[spmem:s1] =	stream.indirect.scatter.add.f32 [tilespmem:s26], [sflag:$0x2], $0x20, s31, s7, $0xb8;
	[tilespmem:$0x1A220] =	vst v63  }
0x162: {  	_ =	swait.ge [sflag:s5], $0x1000  }
0x163: {  	[sflag:s5] =	ssyncset.done $0x0  }
0x164: {  	s31 =	rddreg [dreg:$0x8];
	[sflag:s5] =	ssyncadd.s32 $0xFFFFF000  }
0x165: {  	[tilespmem:s6], [sflag:$0x2] =	stream.linear.gather [hbm4b:s31+s2], $0x14000, $0x38;
	[tilespmem:$0x1A220] =	vst v63  }
0x166: {  	_ =	swait.ge [sflag:s5], $0x14000  }
0x167: {  	[sflag:s5] =	ssyncset.done $0x0  }
0x168: {  	s31 =	rddreg [dreg:$0x1c];
	[sflag:s5] =	ssyncadd.s32 $0xFFFEC000  }
0x169: {  	[spmem:s1] =	stream.indirect.scatter.add.f32 [tilespmem:s6], [sflag:$0x2], $0x20, s31, s7, $0xb8;
	[tilespmem:$0x1A220] =	vst v63  }
0x16a: {  	_ =	swait.ge [sflag:s5], $0x1000  }
0x16b: {  	[sflag:s5] =	ssyncset.done $0x0  }
0x16c: {  	s31 =	rddreg [dreg:$0x1d];
	[sflag:s5] =	ssyncadd.s32 $0xFFFFF000  }
0x16d: {  	[spmem:s1] =	stream.indirect.scatter.add.f32 [tilespmem:s8], [sflag:$0x2], $0x20, s31, s7, $0xb8;
	[tilespmem:$0x1A220] =	vst v63  }
0x16e: {  	_ =	swait.ge [sflag:s5], $0x1000  }
0x16f: {  	[sflag:s5] =	ssyncset.done $0x0  }
0x170: {  	s31 =	rddreg [dreg:$0x1e];
	[sflag:s5] =	ssyncadd.s32 $0xFFFFF000  }
0x171: {  	[spmem:s1] =	stream.indirect.scatter.add.f32 [tilespmem:s9], [sflag:$0x2], $0x20, s31, s7, $0xb8;
	[tilespmem:$0x1A220] =	vst v63  }
0x172: {  	_ =	swait.ge [sflag:s5], $0x1000  }
0x173: {  	[sflag:s5] =	ssyncset.done $0x0  }
0x174: {  	s31 =	rddreg [dreg:$0x1f];
	[sflag:s5] =	ssyncadd.s32 $0xFFFFF000  }
0x175: {  	[spmem:s1] =	stream.indirect.scatter.add.f32 [tilespmem:s10], [sflag:$0x2], $0x20, s31, s7, $0xb8;
	[tilespmem:$0x1A220] =	vst v63  }
0x176: {  	_ =	swait.ge [sflag:s5], $0x1000  }
0x177: {  	s31 =	sld [smem:$0x7ED]  }
0x178: {  	[sflag:s5] =	ssyncset.done $0x0  }
0x179: {  	[sflag:s5] =	ssyncadd.s32 $0xFFFFF000  }
0x17a: {  	[spmem:s1] =	stream.indirect.scatter.add.f32 [tilespmem:s11], [sflag:$0x2], $0x20, s31, s7, $0xb8;
	[tilespmem:$0x1A220] =	vst v63  }
0x17b: {  	_ =	swait.ge [sflag:s5], $0x1000  }
0x17c: {  	s31 =	sld [smem:$0x7EE]  }
0x17d: {  	[sflag:s5] =	ssyncset.done $0x0  }
0x17e: {  	[sflag:s5] =	ssyncadd.s32 $0xFFFFF000  }
0x17f: {  	[spmem:s1] =	stream.indirect.scatter.add.f32 [tilespmem:s12], [sflag:$0x2], $0x20, s31, s7, $0xb8;
	[tilespmem:$0x1A220] =	vst v63  }
0x180: {  	_ =	swait.ge [sflag:s5], $0x1000  }
0x181: {  	s31 =	sld [smem:$0x7EF]  }
0x182: {  	[sflag:s5] =	ssyncset.done $0x0  }
0x183: {  	[sflag:s5] =	ssyncadd.s32 $0xFFFFF000  }
0x184: {  	[spmem:s1] =	stream.indirect.scatter.add.f32 [tilespmem:s13], [sflag:$0x2], $0x20, s31, s7, $0xb8;
	[tilespmem:$0x1A220] =	vst v63  }
0x185: {  	_ =	swait.ge [sflag:s5], $0x1000  }
0x186: {  	s31 =	sld [smem:$0x7F0]  }
0x187: {  	[sflag:s5] =	ssyncset.done $0x0  }
0x188: {  	[sflag:s5] =	ssyncadd.s32 $0xFFFFF000  }
0x189: {  	[spmem:s1] =	stream.indirect.scatter.add.f32 [tilespmem:s14], [sflag:$0x2], $0x20, s31, s7, $0xb8;
	[tilespmem:$0x1A220] =	vst v63  }
0x18a: {  	_ =	swait.ge [sflag:s5], $0x1000  }
0x18b: {  	s31 =	sld [smem:$0x7F1]  }
0x18c: {  	[sflag:s5] =	ssyncset.done $0x0  }
0x18d: {  	[sflag:s5] =	ssyncadd.s32 $0xFFFFF000  }
0x18e: {  	[spmem:s1] =	stream.indirect.scatter.add.f32 [tilespmem:s15], [sflag:$0x2], $0x20, s31, s7, $0xb8;
	[tilespmem:$0x1A220] =	vst v63  }
0x18f: {  	_ =	swait.ge [sflag:s5], $0x1000  }
0x190: {  	s31 =	sld [smem:$0x7F2]  }
0x191: {  	[sflag:s5] =	ssyncset.done $0x0  }
0x192: {  	[sflag:s5] =	ssyncadd.s32 $0xFFFFF000  }
0x193: {  	[spmem:s1] =	stream.indirect.scatter.add.f32 [tilespmem:s16], [sflag:$0x2], $0x20, s31, s7, $0xb8;
	[tilespmem:$0x1A220] =	vst v63  }
0x194: {  	_ =	swait.ge [sflag:s5], $0x1000  }
0x195: {  	s31 =	sld [smem:$0x7F3]  }
0x196: {  	[sflag:s5] =	ssyncset.done $0x0  }
0x197: {  	[sflag:s5] =	ssyncadd.s32 $0xFFFFF000  }
0x198: {  	[spmem:s1] =	stream.indirect.scatter.add.f32 [tilespmem:s17], [sflag:$0x2], $0x20, s31, s7, $0xb8;
	[tilespmem:$0x1A220] =	vst v63  }
0x199: {  	_ =	swait.ge [sflag:s5], $0x1000  }
0x19a: {  	s31 =	sld [smem:$0x7F4]  }
0x19b: {  	[sflag:s5] =	ssyncset.done $0x0  }
0x19c: {  	[sflag:s5] =	ssyncadd.s32 $0xFFFFF000  }
0x19d: {  	[spmem:s1] =	stream.indirect.scatter.add.f32 [tilespmem:s18], [sflag:$0x2], $0x20, s31, s7, $0xb8;
	[tilespmem:$0x1A220] =	vst v63  }
0x19e: {  	_ =	swait.ge [sflag:s5], $0x1000  }
0x19f: {  	s31 =	sld [smem:$0x7F5]  }
0x1a0: {  	[sflag:s5] =	ssyncset.done $0x0  }
0x1a1: {  	[sflag:s5] =	ssyncadd.s32 $0xFFFFF000  }
0x1a2: {  	[spmem:s1] =	stream.indirect.scatter.add.f32 [tilespmem:s19], [sflag:$0x2], $0x20, s31, s7, $0xb8;
	[tilespmem:$0x1A220] =	vst v63  }
0x1a3: {  	_ =	swait.ge [sflag:s5], $0x1000  }
0x1a4: {  	s31 =	sld [smem:$0x7F6]  }
0x1a5: {  	[sflag:s5] =	ssyncset.done $0x0  }
0x1a6: {  	[sflag:s5] =	ssyncadd.s32 $0xFFFFF000  }
0x1a7: {  	[spmem:s1] =	stream.indirect.scatter.add.f32 [tilespmem:s20], [sflag:$0x2], $0x20, s31, s7, $0xb8;
	[tilespmem:$0x1A220] =	vst v63  }
0x1a8: {  	_ =	swait.ge [sflag:s5], $0x1000  }
0x1a9: {  	s31 =	sld [smem:$0x7F7]  }
0x1aa: {  	[sflag:s5] =	ssyncset.done $0x0  }
0x1ab: {  	[sflag:s5] =	ssyncadd.s32 $0xFFFFF000  }
0x1ac: {  	[spmem:s1] =	stream.indirect.scatter.add.f32 [tilespmem:s21], [sflag:$0x2], $0x20, s31, s7, $0xb8;
	[tilespmem:$0x1A220] =	vst v63  }
0x1ad: {  	_ =	swait.ge [sflag:s5], $0x1000  }
0x1ae: {  	s31 =	sld [smem:$0x7F8]  }
0x1af: {  	[sflag:s5] =	ssyncset.done $0x0  }
0x1b0: {  	[sflag:s5] =	ssyncadd.s32 $0xFFFFF000  }
0x1b1: {  	[spmem:s1] =	stream.indirect.scatter.add.f32 [tilespmem:s22], [sflag:$0x2], $0x20, s31, s7, $0xb8;
	[tilespmem:$0x1A220] =	vst v63  }
0x1b2: {  	_ =	swait.ge [sflag:s5], $0x1000  }
0x1b3: {  	s31 =	sld [smem:$0x7F9]  }
0x1b4: {  	[sflag:s5] =	ssyncset.done $0x0  }
0x1b5: {  	[sflag:s5] =	ssyncadd.s32 $0xFFFFF000  }
0x1b6: {  	[spmem:s1] =	stream.indirect.scatter.add.f32 [tilespmem:s23], [sflag:$0x2], $0x20, s31, s7, $0xb8;
	[tilespmem:$0x1A220] =	vst v63  }
0x1b7: {  	_ =	swait.ge [sflag:s5], $0x1000  }
0x1b8: {  	s31 =	sld [smem:$0x7FA]  }
0x1b9: {  	[sflag:s5] =	ssyncset.done $0x0  }
0x1ba: {  	[sflag:s5] =	ssyncadd.s32 $0xFFFFF000  }
0x1bb: {  	[spmem:s1] =	stream.indirect.scatter.add.f32 [tilespmem:s24], [sflag:$0x2], $0x20, s31, s7, $0xb8;
	[tilespmem:$0x1A220] =	vst v63  }
0x1bc: {  	_ =	swait.ge [sflag:s5], $0x1000  }
0x1bd: {  	s31 =	sld [smem:$0x7FB]  }
0x1be: {  	[sflag:s5] =	ssyncset.done $0x0  }
0x1bf: {  	[sflag:s5] =	ssyncadd.s32 $0xFFFFF000  }
0x1c0: {  	[spmem:s1] =	stream.indirect.scatter.add.f32 [tilespmem:s25], [sflag:$0x2], $0x20, s31, s7, $0xb8;
	[tilespmem:$0x1A220] =	vst v63  }
0x1c1: {  	_ =	swait.ge [sflag:s5], $0x1000  }
0x1c2: {  	s31 =	sld [smem:$0x7FC]  }
0x1c3: {  	[sflag:s5] =	ssyncset.done $0x0  }
0x1c4: {  	[sflag:s5] =	ssyncadd.s32 $0xFFFFF000  }
0x1c5: {  	[spmem:s1] =	stream.indirect.scatter.add.f32 [tilespmem:s26], [sflag:$0x2], $0x20, s31, s7, $0xb8;
	[tilespmem:$0x1A220] =	vst v63  }
0x1c6: {  	_ =	swait.ge [sflag:s5], $0x1000  }
0x1c7: {  	[sflag:s5] =	ssyncset.done $0x0  }
0x1c8: {  	s29 =	sadd.s32 $0xFFFFFFFF, s29;
	[sflag:s5] =	ssyncadd.s32 $0xFFFFF000  }
0x1c9: {  	p1 =	sne.s32 s29, $0x0;
	[bflag:$0x0] =	sbarrier.arrive $0xFFFF  }
.Ltmp1:
0x1ca: {  	s31 =	sld [smem:$0x7FD];
	(pc) =	sbr.rel @p1 .LBB2_1-.Ltmp1, $4  }
0x1cb: {  	_ = 	snop  }
0x1cc: {  	s30 =	rddreg [dreg:$0x6]  }
0x1cd: {  	[hbm:s30], [sflag:s28] =	dma.local [spmem:s31], $0x9C4  }
0x1ce: {  	_ =	swait.ge [sflag:s5], $0x9C4  }
.LBB2_2:
0x1cf: {  	[sflag:s5] =	ssyncset.done $0x0  }
0x1d0: {  	[sflag:s5] =	ssyncadd.s32 $0xFFFFF63C  }
0x1d1: {  	_ =	sfence.sel $0x180000  }
0x1d2: {  	[bflag:$0x0] =	sbarrier.arrive $0xFFFF  }
0x1d3: {  	_ =	strace $0x9000004A  }
0x1d4: {  	s0 =	sadd.s32 @!p0 $0x100000, s0;
	[bflag:$0x2] =	sbarrier.arrive $0xFFFF  }
0x1d5: {  	[sflag:s0] =	ssyncadd.tile.s32 @!p0 $0x1;
	_ =	shalt  }
.Lfunc_end2:
_tile_overlayer_lowered:
.L_overlay_start_2:
0x1d6: {  	(tag) =	ssettag $0x2  }
0x1d7: {  	s0 =	rddreg [dreg:$0x0];
	s2 =	stileid.u32  }
0x1d8: {  	s1 =	rddreg [dreg:$0x1];
	p0 =	sne.s32 s2, $0x0  }
0x1d9: {  	s3 =	rddreg [dreg:$0x2];
	[bflag:$0x3] =	sbarrier.arrive $0xFFFF;
	s2 =	simm.s32 @!p0 $0x1C02  }
0x1da: {  	[timem:s3], [sflag:s2] =	dma.local @!p0 [hbm:s0], s1  }
0x1db: {  	s0 =	simm.s32 @!p0 $0x2  }
0x1dc: {  	_ =	swait.ge @!p0 [sflag:s0], s1  }
0x1dd: {  	s1 =	ssub.s32 @!p0 $0x0, s1;
	[sflag:s0] =	ssyncset.done @!p0 $0x0  }
0x1de: {  	[sflag:s0] =	ssyncadd.s32 @!p0 s1  }
0x1df: {  	[bflag:$0x3] =	sbarrier.arrive $0xFFFF  }
0x1e0: {  	_ =	shalt  }

// kernel: kernel.7.cloned.1.call-start
scs
__scs_entry_jumppad:
0x0: {  	(pc) =	sbr.rel $0x88, $3  }
0x1: {  	(tag) =	ssettag $0x0;
	lr =	simm.s32 $0x1  }
0x2: {  	[smem:$0x3F93] =	sst lr;
	_ =	strace $0xD0000000  }
0x3: {  	_ = 	snop  }
0x4: {  	_ = 	snop  }
0x5: {  	_ = 	snop  }
0x6: {  	_ = 	snop  }
0x7: {  	_ = 	snop  }
__scs_overlays_trampoline_lowered:
0x8: {  	[smem:$0x3FA2] =	sst s0  }
0x9: {  	[smem:$0x3FA3] =	sst s1  }
0xa: {  	[smem:$0x3FA4] =	sst s2  }
0xb: {  	[smem:$0x3FA5] =	sst s3  }
0xc: {  	[smem:$0x3FA6] =	sst s4  }
0xd: {  	[smem:$0x3FA7] =	sst s5  }
0xe: {  	[smem:$0x3FA8] =	sst s6  }
0xf: {  	[smem:$0x3FA9] =	sst s7  }
0x10: {  	[smem:$0x3FAA] =	sst s8  }
0x11: {  	[smem:$0x3FAB] =	sst s9;
	s0 =	simm.s32 @!p0 $0x0  }
0x12: {  	s1 =	sld [smem:$0x3F91];
	s0 =	simm.s32 @p0 $0x1  }
0x13: {  	[smem:$0x3FAC] =	sst s0;
	s0 =	simm.s32 @!p1 $0x0  }
0x14: {  	s2 =	sld [smem:$0x3F90];
	s0 =	simm.s32 @p1 $0x1  }
0x15: {  	[smem:$0x3FAD] =	sst s0;
	s0 =	simm.s32 @!p2 $0x0  }
0x16: {  	s3 =	sld [smem:$0x3FDB];
	s0 =	simm.s32 @p2 $0x1  }
0x17: {  	s4 =	simm.s32 $0x1BF5;
	[smem:$0x3FAF] =	sst s0  }
0x18: {  	s0 =	sld [smem:$0x3F92];
	_ =	swait.ge [sflag:s4], $0x0  }
0x19: {  	s7 =	sld [smem:$0x3F93]  }
0x1a: {  	s8 =	sadd.s32 $0xFFFFE003, lr  }
0x1b: {  	s9 =	sadd.s32 $0xFFFFFEF7, lr;
	s5 =	simm.s32 $0xFFFFFFFF;
	p2 =	slt.u32 s8, $0xFFFFF086  }
0x1c: {  	p1 =	slt.u32 s9, $0xF7A;
	s5 =	simm.s32 @!p2 $0x0  }
0x1d: {  	s5 =	simm.s32 @p1 $0x1;
	p0 =	seq.s32 s7, s2  }
0x1e: {  	s7 =	smul.u32 @!p0 $0xF7A, s2;
	p2 =	seq.s32 @!p0 s5, $0x0  }
0x1f: {  	s9 =	smul.u32 $0xF7A, s1;
	s8 =	simm.s32 @!p0 $0x1BF5;
	p2 =	por !p2, p0  }
0x20: {  	[sflag:s8] =	ssyncset.s32 @!p0 $0xFFFFF086;
	s6 =	sadd.s32 @!p0 s3, s7;
	s7 =	simm.s32 @!p0 $0x108  }
0x21: {  	s3 =	sadd.s32 s3, s9;
	s6 =	sadd.s32 @!p0 $0x88, s6;
	s7 =	simm.s32 @p2 $0x1082  }
0x22: {  	[simem:s7], [sflag:s8] =	dma.local @!p0 [hbm:s6], $0xF7A  }
0x23: {  	s9 =	sor.u32 $0xD0000000, s2;
	s6 =	simm.s32 $0x108;
	_ =	swait.ge @!p0 [sflag:s8], $0x0  }
0x24: {  	s3 =	sadd.s32 $0x88, s3;
	s6 =	simm.s32 @!p1 $0x1082;
	[sflag:s4] =	ssyncset.s32 $0xFFFFF086  }
0x25: {  	[simem:s6], [sflag:s4] =	dma.local [hbm:s3], $0xF7A  }
0x26: {  	[smem:$0x3F93] =	sst s1;
	(tag) =	ssettag s2;
	_ =	strace s9  }
0x27: {  	s1 =	sld [smem:$0x3FA3]  }
0x28: {  	s2 =	sld [smem:$0x3FA4]  }
0x29: {  	s4 =	sld [smem:$0x3FA6]  }
0x2a: {  	p0 =	seq.s32 s5, $0x0;
	s5 =	sld [smem:$0x3FA7]  }
0x2b: {  	s6 =	sld [smem:$0x3FA8]  }
0x2c: {  	s7 =	sld [smem:$0x3FA9]  }
0x2d: {  	s3 =	simm.s32 $0x108;
	s8 =	sld [smem:$0x3FAA]  }
0x2e: {  	s3 =	simm.s32 @!p0 $0x1082;
	s9 =	sld [smem:$0x3FAB]  }
0x2f: {  	lr =	sadd.s32 s0, s3;
	s0 =	sld [smem:$0x3FA2]  }
0x30: {  	s3 =	sld [smem:$0x3FA5]  }
0x31: {  	[smem:$0x3FAE] =	sst s10  }
0x32: {  	s10 =	sld [smem:$0x3FAC];
	_ =	sdelay $0x3  }
0x33: {  	p0 =	seq.s32 s10, $0x1;
	s10 =	sld [smem:$0x3FAE];
	_ =	sdelay $0x3  }
0x34: {  	[smem:$0x3FAE] =	sst s10  }
0x35: {  	s10 =	sld [smem:$0x3FAD];
	_ =	sdelay $0x3  }
0x36: {  	p1 =	seq.s32 s10, $0x1;
	s10 =	sld [smem:$0x3FAE];
	_ =	sdelay $0x3  }
0x37: {  	[smem:$0x3FAE] =	sst s10  }
0x38: {  	s10 =	sld [smem:$0x3FAF]  }
0x39: {  	_ = 	snop;
	(pc) =	sbr.ind lr, $3  }
0x3a: {  	_ = 	snop  }
0x3b: {  	_ = 	snop  }
0x3c: {  	p2 =	seq.s32 s10, $0x1;
	s10 =	sld [smem:$0x3FAE]  }
0x3d: {  	_ =	shalt  }
0x3e: {  	_ =	shalt  }
0x3f: {  	_ =	shalt  }
0x40: {  	_ =	shalt  }
0x41: {  	_ =	shalt  }
0x42: {  	_ =	shalt  }
0x43: {  	_ =	shalt  }
0x44: {  	_ =	shalt  }
0x45: {  	_ =	shalt  }
0x46: {  	_ =	shalt  }
0x47: {  	_ =	shalt  }
0x48: {  	_ =	shalt  }
0x49: {  	_ =	shalt  }
0x4a: {  	_ =	shalt  }
0x4b: {  	_ =	shalt  }
0x4c: {  	_ =	shalt  }
0x4d: {  	_ =	shalt  }
0x4e: {  	_ =	shalt  }
0x4f: {  	_ =	shalt  }
0x50: {  	_ =	shalt  }
0x51: {  	_ =	shalt  }
0x52: {  	_ =	shalt  }
0x53: {  	_ =	shalt  }
0x54: {  	_ =	shalt  }
0x55: {  	_ =	shalt  }
0x56: {  	_ =	shalt  }
0x57: {  	_ =	shalt  }
0x58: {  	_ =	shalt  }
0x59: {  	_ =	shalt  }
0x5a: {  	_ =	shalt  }
0x5b: {  	_ =	shalt  }
0x5c: {  	_ =	shalt  }
0x5d: {  	_ =	shalt  }
0x5e: {  	_ =	shalt  }
0x5f: {  	_ =	shalt  }
0x60: {  	_ =	shalt  }
0x61: {  	_ =	shalt  }
0x62: {  	_ =	shalt  }
0x63: {  	_ =	shalt  }
0x64: {  	_ =	shalt  }
0x65: {  	_ =	shalt  }
0x66: {  	_ =	shalt  }
0x67: {  	_ =	shalt  }
0x68: {  	_ =	shalt  }
0x69: {  	_ =	shalt  }
0x6a: {  	_ =	shalt  }
0x6b: {  	_ =	shalt  }
0x6c: {  	_ =	shalt  }
0x6d: {  	_ =	shalt  }
0x6e: {  	_ =	shalt  }
0x6f: {  	_ =	shalt  }
0x70: {  	_ =	shalt  }
0x71: {  	_ =	shalt  }
0x72: {  	_ =	shalt  }
0x73: {  	_ =	shalt  }
0x74: {  	_ =	shalt  }
0x75: {  	_ =	shalt  }
0x76: {  	_ =	shalt  }
0x77: {  	_ =	shalt  }
0x78: {  	_ =	shalt  }
0x79: {  	_ =	shalt  }
0x7a: {  	_ =	shalt  }
0x7b: {  	_ =	shalt  }
0x7c: {  	_ =	shalt  }
0x7d: {  	_ =	shalt  }
0x7e: {  	_ =	shalt  }
0x7f: {  	_ =	shalt  }
0x80: {  	_ =	shalt  }
0x81: {  	_ =	shalt  }
0x82: {  	_ =	shalt  }
0x83: {  	_ =	shalt  }
0x84: {  	_ =	shalt  }
0x85: {  	_ =	shalt  }
0x86: {  	_ =	shalt  }
0x87: {  	_ =	shalt  }
.Lfunc_end0:
.L_simem_size_0:
called_computation_lowered:
.L_overlay_start_0:
0x88: {  	s2 =	sld [smem:$0x3FD9]  }
0x89: {  	s3 =	sld [smem:$0x3FFE];
	_ =	sdelay $0x1  }
0x8a: {  	s1 =	srdreg.scid  }
0x8b: {  	s0 =	sand.u32 $0x1, s1  }
0x8c: {  	s17 =	sshll.u32 s0, $0xA;
	s2 =	sadd.s32 s3, s2  }
0x8d: {  	s2 =	sadd.s32 s2, s17  }
0x8e: {  	[smem:$0x3FBA] =	sst s2  }
0x8f: {  	_ = 	snop  }
0x90: {  	s2 =	sld [smem:$0x3FD0];
	(tm) =	ssettm $0x1  }
0x91: {  	s18 =	sld [smem:$0x3FFB];
	_ =	sdelay $0x3  }
0x92: {  	_ =	strace s18  }
0x93: {  	s3 =	sld [smem:$0x3FFC];
	_ =	sdelay $0x3  }
0x94: {  	_ =	strace s3  }
0x95: {  	s3 =	sld [smem:$0x3FFD];
	_ =	sdelay $0x3  }
0x96: {  	_ =	strace s3  }
0x97: {  	_ =	strace $0x8FFFFFFF  }
0x98: {  	s19 =	sld [smem:$0x3FDB];
	_ =	sdelay $0x1  }
0x99: {  	s4 =	simm.s32 $_scs_section_size  }
0x9a: {  	s5 =	simm.s32 $_size__tile_overlayer_lowered;
	s6 =	simm.s32 $_tile_overlayer_lowered  }
0x9b: {  	s22 =	simm.s32 $0x1BFF;
	s21 =	sshll.u32 s6, $0x1;
	s3 =	sadd.s32 s4, s19  }
0x9c: {  	s7 =	simm.s32 $0x0;
	s20 =	sshll.u32 s5, $0x1;
	s5 =	sadd.s32 s21, s3  }
0x9d: {  	[timem:s7], [sflag:s22] =	dma.local [hbm:s5], s20  }
0x9e: {  	_ =	swait.ge [sflag:s22], s20  }
0x9f: {  	s4 =	ssub.s32 $0x0, s20;
	[sflag:s22] =	ssyncset.done $0x0  }
0xa0: {  	[sflag:s22] =	ssyncadd.s32 s4;
	_ =	sdelay $0x1  }
0xa1: {  	s23 =	simm.s32 $0x1B8B  }
0xa2: {  	_ =	swait.ge [sflag:s23], $0x1  }
0xa3: {  	[sflag:s23] =	ssyncset.done $0x0  }
0xa4: {  	s25 =	simm.s32 $0x1B8E;
	s24 =	sld [smem:$0x3FFE];
	[sflag:s23] =	ssyncadd.s32 $0xFFFFFFFF  }
0xa5: {  	s26 =	simm.s32 $execute0_lowered;
	[smem:$0x3FD2] =	sst s25  }
0xa6: {  	s5 =	sshll.u32 s26, $0x1;
	_ =	strace $0x80000046;
	[dreg:$0x1] =	wrdreg $0xFFFFFFFF  }
0xa7: {  	s28 =	simm.s32 $_size_execute0_lowered;
	s3 =	sadd.s32 s3, s5;
	[dreg:$0x0] =	wrdreg $0x0  }
0xa8: {  	s5 =	sshll.u32 s28, $0x1;
	[dreg:$0x2] =	wrdreg s3  }
0xa9: {  	[dreg:$0x3] =	wrdreg s5  }
0xaa: {  	[dreg:$0x4] =	wrdreg $0xC0  }
0xab: {  	_ =	task [dreg:s7], $0x5FFFF  }
0xac: {  	[dreg:$0x1] =	wrdreg $0xFFFFFFFF  }
0xad: {  	[dreg:$0x0] =	wrdreg $0x60  }
0xae: {  	[dreg:$0x2] =	wrdreg s24  }
0xaf: {  	[dreg:$0x3] =	wrdreg s2  }
0xb0: {  	[dreg:$0x4] =	wrdreg $0x9  }
0xb1: {  	_ =	task.clear_ibuf [dreg:s7], $0x5FFFF;
	_ =	strace $0x90000046  }
0xb2: {  	s29 =	simm.s32 $0x9;
	_ =	strace $0x80000048  }
0xb3: {  	_ =	swait.ge [sflag:s29], $0x1  }
0xb4: {  	[sflag:s29] =	ssyncadd.s32 $0xFFFFFFFF  }
0xb5: {  	_ =	strace $0x90000048  }
0xb6: {  	_ =	sfence  }
0xb7: {  	s30 =	sld [smem:$0x0];
	_ =	sdelay $0x2  }
0xb8: {  	s31 =	sshll.u32 s1, $0xD;
	s1 =	sshrl.u32 s1, $0x2  }
0xb9: {  	s3 =	sand.u32 $0x4000, s31;
	s1 =	sadd.s32 s1, s30  }
0xba: {  	s0 =	sor.u32 s3, s0;
	s1 =	sshll.u32 s1, $0x11  }
0xbb: {  	s0 =	sor.u32 s1, s0  }
0xbc: {  	s0 =	sadd.s32 $0x8F2B, s0  }
0xbd: {  	[sflag:s0] =	ssyncadd.remote.s32 $0x1  }
0xbe: {  	_ =	sfence.sel $0xFFFF  }
0xbf: {  	[dreg:$0x0] =	wrdreg $0xFFFFFFFF;
	(pc) =	sbr.abs _section_cstart, $3  }
0xc0: {  	[dreg:$0x1] =	wrdreg $0xFFFFFFFF  }
0xc1: {  	_ =	task.clear_ibuf [dreg:s7], $0x2FFFF;
	_ =	strace $0x9FFFFFFF  }
0xc2: {  	(tm) =	ssettm $0x7FFFFFFF  }
0xc3: {  	_ =	shalt  }
tec
execute0_lowered:
.L_overlay_start_1:
0x0: {  	(tag) =	ssettag $0x1  }
0x1: {  	s5 =	rddreg [dreg:$0x0];
	s1 =	srdreg.scid  }
0x2: {  	s0 =	stileid.u32;
	s6 =	rddreg [dreg:$0x1]  }
0x3: {  	s2 =	simm.s32 $0x0;
	s15 =	simm.s32 $0x1;
	s16 =	simm.s32 $0x2  }
0x4: {  	s17 =	simm.s32 $0x0;
	s7 =	sand.u32 $0x1, s1;
	s9 =	smul.u32 $0x14000, s0  }
0x5: {  	s3 =	sshll.u32 s0, $0x1;
	s1 =	rddreg [dreg:$0x2];
	s11 =	smul.u32 $0x5000, s0  }
0x6: {  	[smem:$0x7FF] =	sst s2;
	s4 =	sadd.s32 $0x3E000, s5;
	s14 =	smul.u32 $0x2800, s7  }
0x7: {  	s3 =	sor.u32 s7, s3;
	_ =	strace $0x80000047;
	s30 =	smul.u32 $0xA000, s7  }
0x8: {  	s12 =	ssub.s32 $0x2, s7;
	s8 =	smul.u32 $0x1400, s3;
	s3 =	sadd.s32 $0x2A600, s5  }
0x9: {  	s9 =	sadd.s32 s9, s5;
	s13 =	sshrl.u32 s12, $0x1;
	s11 =	sadd.s32 s11, s5  }
0xa: {  	s12 =	ssub.s32 s12, s13;
	s31 =	sadd.s32 s14, s11;
	s9 =	sadd.s32 s30, s9  }
0xb: {  	s11 =	simm.s32 $0x1400;
	s13 =	simm.s32 $0x2800;
	s14 =	simm.s32 $0x4800  }
0xc: {  	s8 =	sshrl.u32 s8, $0x3;
	s7 =	smax.u32 s12, $0x1;
	s9 =	sadd.s32 $0x98000, s9  }
0xd: {  	s12 =	simm.s32 $0x80;
	s10 =	sadd.s32 s8, s5;
	s5 =	sadd.s32 s6, s8  }
0xe: {  	s8 =	sadd.s32 $0x48000, s31;
	s6 =	sadd.s32 $0x43000, s10;
	s10 =	simm.s32 $0x3  }
.LBB2_1:
0xf: {  	[tilespmem:s2], [sflag:$0x3] =	stream.linear.gather [hbm4b:s5+s2], $0x1400, $0x38;
	[tilespmem:$0x5000] =	vst v63  }
0x10: {  	_ =	swait.ge [sflag:s10], $0x1400  }
0x11: {  	[sflag:s10] =	ssyncset.done $0x0  }
0x12: {  	[sflag:s10] =	ssyncadd.s32 $0xFFFFEC00  }
0x13: {  	[tilespmem:s11], [sflag:$0x3] =	stream.linear.gather [hbm4b:s6+s2], $0x1400, $0x38;
	[tilespmem:$0x5000] =	vst v63  }
0x14: {  	_ =	swait.ge [sflag:s10], $0x1400  }
0x15: {  	[sflag:s10] =	ssyncset.done $0x0  }
0x16: {  	s18 =	simm.s32 $0x0;
	[sflag:s10] =	ssyncadd.s32 $0xFFFFEC00  }
0x17: {  	[tilespmem:s13], [sflag:$0x1] =	stream.indirect.gather [hbm4b:s3+s12], $0x40, s18, s12, $0xb8;
	[tilespmem:$0x5000] =	vst v63  }
0x18: {  	s31 =	simm.s32 $0x1400  }
0x19: {  	[tilespmem:s14], [sflag:$0x2] =	stream.indirect.gather [hbm4b:s4+s12], $0x10, s31, s12, $0xb8;
	[tilespmem:$0x5000] =	vst v63  }
0x1a: {  	_ =	swait.ge [sflag:s15], $0x2000  }
0x1b: {  	[sflag:s15] =	ssyncset.done $0x0  }
0x1c: {  	[sflag:s15] =	ssyncadd.s32 $0xFFFFE000  }
0x1d: {  	_ =	swait.ge [sflag:s16], $0x800  }
0x1e: {  	[sflag:s16] =	ssyncset.done $0x0  }
0x1f: {  	[sflag:s16] =	ssyncadd.s32 $0xFFFFF800  }
0x20: {  	[hbm4b:s9+s2] =	stream.linear.scatter [tilespmem:s13], [sflag:$0x3], $0x2000, $0x38;
	[tilespmem:$0x5000] =	vst v63  }
0x21: {  	_ =	swait.ge [sflag:s10], $0x2000  }
0x22: {  	[sflag:s10] =	ssyncset.done $0x0  }
0x23: {  	[sflag:s10] =	ssyncadd.s32 $0xFFFFE000  }
0x24: {  	[hbm4b:s8+s2] =	stream.linear.scatter [tilespmem:s14], [sflag:$0x3], $0x800, $0x38;
	[tilespmem:$0x5000] =	vst v63  }
0x25: {  	s20 =	simm.s32 $0x200;
	s21 =	simm.s32 $0x400;
	_ =	swait.ge [sflag:s10], $0x800  }
0x26: {  	s19 =	sadd.s32 $0x400, s9;
	s18 =	sadd.s32 $0x100, s8;
	[sflag:s10] =	ssyncset.done $0x0  }
.LBB2_2:
0x27: {  	s22 =	sshra.s32 s20, $0x2  }
0x28: {  	[sflag:s10] =	ssyncadd.s32 $0xFFFFF800;
	s20 =	smov.u32 s21;
	s23 =	sadd.s32 $0x200, s21  }
0x29: {  	[tilespmem:s13], [sflag:$0x1] =	stream.indirect.gather [hbm4b:s3+s12], $0x40, s22, s12, $0xb8;
	[tilespmem:$0x5000] =	vst v63  }
0x2a: {  	p0 =	sne.s32 s21, $0x4E00;
	s21 =	sadd.s32 $0x1400, s22  }
0x2b: {  	[tilespmem:s14], [sflag:$0x2] =	stream.indirect.gather [hbm4b:s4+s12], $0x10, s21, s12, $0xb8;
	[tilespmem:$0x5000] =	vst v63  }
0x2c: {  	_ =	swait.ge [sflag:s15], $0x2000  }
0x2d: {  	[sflag:s15] =	ssyncset.done $0x0  }
0x2e: {  	[sflag:s15] =	ssyncadd.s32 $0xFFFFE000  }
0x2f: {  	_ =	swait.ge [sflag:s16], $0x800  }
0x30: {  	[sflag:s16] =	ssyncset.done $0x0  }
0x31: {  	[sflag:s16] =	ssyncadd.s32 $0xFFFFF800  }
0x32: {  	[hbm4b:s19+s2] =	stream.linear.scatter [tilespmem:s13], [sflag:$0x3], $0x2000, $0x38;
	[tilespmem:$0x5000] =	vst v63  }
0x33: {  	_ =	swait.ge [sflag:s10], $0x2000  }
.Ltmp0:
0x34: {  	[sflag:s10] =	ssyncset.done $0x0;
	(pc) =	sbr.rel @p0 .LBB2_2-.Ltmp0, $4  }
0x35: {  	[sflag:s10] =	ssyncadd.s32 $0xFFFFE000  }
0x36: {  	[hbm4b:s18+s2] =	stream.linear.scatter [tilespmem:s14], [sflag:$0x3], $0x800, $0x38;
	[tilespmem:$0x5000] =	vst v63  }
0x37: {  	s21 =	smov.u32 s23;
	_ =	swait.ge [sflag:s10], $0x800  }
0x38: {  	s19 =	sadd.s32 $0x400, s19;
	s18 =	sadd.s32 $0x100, s18;
	[sflag:s10] =	ssyncset.done $0x0  }
0x39: {  	s20 =	sshra.s32 s20, $0x2;
	[sflag:s10] =	ssyncadd.s32 $0xFFFFF800  }
0x3a: {  	[tilespmem:s13], [sflag:$0x1] =	stream.indirect.gather [hbm4b:s3+s12], $0x40, s20, s12, $0xb8;
	[tilespmem:$0x5000] =	vst v63  }
0x3b: {  	s20 =	sadd.s32 $0x1400, s20  }
0x3c: {  	[tilespmem:s14], [sflag:$0x2] =	stream.indirect.gather [hbm4b:s4+s12], $0x10, s20, s12, $0xb8;
	[tilespmem:$0x5000] =	vst v63  }
0x3d: {  	_ =	swait.ge [sflag:s15], $0x2000  }
0x3e: {  	[sflag:s15] =	ssyncset.done $0x0  }
0x3f: {  	[sflag:s15] =	ssyncadd.s32 $0xFFFFE000  }
0x40: {  	_ =	swait.ge [sflag:s16], $0x800  }
0x41: {  	[sflag:s16] =	ssyncset.done $0x0  }
0x42: {  	[sflag:s16] =	ssyncadd.s32 $0xFFFFF800  }
0x43: {  	[hbm4b:s19+s2] =	stream.linear.scatter [tilespmem:s13], [sflag:$0x3], $0x2000, $0x38;
	[tilespmem:$0x5000] =	vst v63  }
0x44: {  	s17 =	sadd.s32 $0x1, s17;
	_ =	swait.ge [sflag:s10], $0x2000  }
0x45: {  	p0 =	sne.s32 s17, s7;
	[sflag:s10] =	ssyncset.done $0x0  }
.Ltmp1:
0x46: {  	[sflag:s10] =	ssyncadd.s32 $0xFFFFE000;
	(pc) =	sbr.rel @p0 .LBB2_1-.Ltmp1, $4  }
0x47: {  	[hbm4b:s18+s2] =	stream.linear.scatter [tilespmem:s14], [sflag:$0x3], $0x800, $0x38;
	[tilespmem:$0x5000] =	vst v63  }
0x48: {  	_ =	swait.ge [sflag:s10], $0x800  }
0x49: {  	[sflag:s10] =	ssyncset.done $0x0  }
0x4a: {  	[sflag:s10] =	ssyncadd.s32 $0xFFFFF800  }
0x4b: {  	_ =	sfence.sel $0x180000  }
0x4c: {  	[bflag:$0x0] =	sbarrier.arrive $0xFFFF  }
0x4d: {  	p0 =	sne.s32 s0, $0x0;
	_ =	strace $0x90000047  }
0x4e: {  	s0 =	sadd.s32 @!p0 $0x100000, s1;
	[bflag:$0x2] =	sbarrier.arrive $0xFFFF  }
0x4f: {  	[sflag:s0] =	ssyncadd.tile.s32 @!p0 $0x1;
	_ =	shalt  }
.Lfunc_end2:
_tile_overlayer_lowered:
.L_overlay_start_2:
0x50: {  	(tag) =	ssettag $0x2  }
0x51: {  	s0 =	rddreg [dreg:$0x0];
	s2 =	stileid.u32  }
0x52: {  	s1 =	rddreg [dreg:$0x1];
	p0 =	sne.s32 s2, $0x0  }
0x53: {  	s3 =	rddreg [dreg:$0x2];
	[bflag:$0x3] =	sbarrier.arrive $0xFFFF;
	s2 =	simm.s32 @!p0 $0x1C03  }
0x54: {  	[timem:s3], [sflag:s2] =	dma.local @!p0 [hbm:s0], s1  }
0x55: {  	s0 =	simm.s32 @!p0 $0x3  }
0x56: {  	_ =	swait.ge @!p0 [sflag:s0], s1  }
0x57: {  	s1 =	ssub.s32 @!p0 $0x0, s1;
	[sflag:s0] =	ssyncset.done @!p0 $0x0  }
0x58: {  	[sflag:s0] =	ssyncadd.s32 @!p0 s1  }
0x59: {  	[bflag:$0x3] =	sbarrier.arrive $0xFFFF  }
0x5a: {  	_ =	shalt  }

</sc_bundles>
